<compile_context>
chip_gen: v7x
topology: tpu7x:2x2x1
jax: 0.10.2.dev20260603
libtpu: 0.0.44.dev20260713+nightly
codegen_flags: <defaults>
</compile_context>

<pallas_src>
import jax
import jax.numpy as jnp
from jax.experimental import pallas as pl
from jax.experimental.pallas import tpu as pltpu
from jax.experimental.pallas import tpu_sc as plsc

_B, _L, _D = 1024, 20, 50
_DP = 128
_V = 100000
_NIDX = _B * _L
_GWIN = 128
_MT = 16
_KBUF = 3


def _sc_gather(table, flat_idx):
    mesh = plsc.VectorSubcoreMesh(core_axis_name="core",
                                  subcore_axis_name="subcore")

    @pl.kernel(out_type=jax.ShapeDtypeStruct((_NIDX, _DP), jnp.float32),
               mesh=mesh)
    def gather_kernel(x_hbm, i_hbm, o_hbm):
        def body(i_vmem, o_vmem):
            pltpu.sync_copy(x_hbm.at[i_vmem.at[0]], o_vmem)

        pltpu.emit_pipeline(
            body,
            grid=(_NIDX // _GWIN,),
            in_specs=[pl.BlockSpec((1, _GWIN), lambda i: (0, i))],
            out_specs=[pl.BlockSpec((_GWIN, _DP), lambda i: (i, 0))],
            core_axis_name=("core", "subcore"),
            dimension_semantics=(pltpu.PARALLEL,),
        )(i_hbm, o_hbm)

    return gather_kernel(table, flat_idx)


def _pad_body(e_ref, o_ref):
    blk = e_ref.shape[0]
    o_ref[...] = jnp.concatenate(
        [e_ref[...], jnp.zeros((blk, _DP - _D), jnp.float32)], axis=1)


def _tc_pad(embed_w):
    blk = 5000
    return pl.pallas_call(
        _pad_body,
        grid=(_V // blk,),
        in_specs=[pl.BlockSpec((blk, _D), lambda j: (j, 0))],
        out_specs=pl.BlockSpec((blk, _DP), lambda j: (j, 0)),
        out_shape=jax.ShapeDtypeStruct((_V, _DP), jnp.float32),
    )(embed_w)


def _proj_body(rows_ref, wt_ref, b_ref, o_ref, x_ref, buf, sems):
    rows = rows_ref[...].reshape(_B, _L, _DP)
    sumsq = jnp.sum(rows * rows, axis=-1, keepdims=True)
    norm = jnp.sqrt(sumsq)
    scale = jnp.minimum(1.0, 1.0 / jnp.maximum(norm, 1e-7))
    x_ref[...] = jnp.mean(rows * scale, axis=1)[:, :_D].astype(jnp.bfloat16)

    nm = _B // _MT
    wt = wt_ref[...]
    b = b_ref[...]

    @pl.loop(0, nm)
    def _(j):
        slot = jax.lax.rem(j, _KBUF)

        @pl.when(j >= _KBUF)
        def _():
            pltpu.make_async_copy(
                buf.at[slot],
                o_ref.at[pl.ds((j - _KBUF) * _MT, _MT), :],
                sems.at[slot]).wait()

        xj = x_ref[pl.ds(j * _MT, _MT), :]
        acc = jax.lax.dot_general(xj, wt, (((1,), (0,)), ((), ())),
                                  preferred_element_type=jnp.float32)
        buf[slot] = acc + b
        pltpu.make_async_copy(
            buf.at[slot],
            o_ref.at[pl.ds(j * _MT, _MT), :],
            sems.at[slot]).start()

    @pl.loop(0, _KBUF)
    def _(k):
        pltpu.make_async_copy(
            buf.at[k], o_ref.at[pl.ds(0, _MT), :], sems.at[k]).wait()


def _tc_project(rows, wt, lin_b):
    return pl.pallas_call(
        _proj_body,
        in_specs=[
            pl.BlockSpec(memory_space=pltpu.VMEM),
            pl.BlockSpec(memory_space=pltpu.VMEM),
            pl.BlockSpec(memory_space=pltpu.VMEM),
        ],
        out_specs=pl.BlockSpec(memory_space=pl.ANY),
        out_shape=jax.ShapeDtypeStruct((_B, _V), jnp.float32),
        scratch_shapes=[pltpu.VMEM((_B, _D), jnp.bfloat16),
                        pltpu.VMEM((_KBUF, _MT, _V), jnp.float32),
                        pltpu.SemaphoreType.DMA((_KBUF,))],
    )(rows, wt, lin_b)


@jax.jit
def kernel(inputs_, embed_w, lin_w, lin_b):
    table = _tc_pad(embed_w)
    flat_idx = inputs_.reshape(1, _NIDX).astype(jnp.int32)
    rows = _sc_gather(table, flat_idx)
    wt = lin_w.T.astype(jnp.bfloat16)
    return _tc_project(rows, wt, lin_b.reshape(1, _V))

# --- scband reference (transcript-rebuilt; emitter-appended) ---
"""Pipeline reference for scband-cbow-model-34909494182103 (READ-ONLY COPY).

The authoritative reference and input builder live on the scoring server;
editing this copy changes nothing except your own understanding.
"""

import jax, jax.numpy as jnp
import numpy as np

EMBED_DIMENSION = 50
EMBED_MAX_NORM = 1.0
VOCAB = 100000
B, L = 1024, 20

def setup_inputs(seed: int = 0):
    key = jax.random.key(seed)
    k1, k2, k3, k4 = jax.random.split(key, 4)
    inputs_ = jax.random.randint(k1, (B, L), 0, VOCAB)
    embed_w = jax.random.normal(k2, (VOCAB, EMBED_DIMENSION), dtype=jnp.float32)
    lin_w = jax.random.normal(k3, (VOCAB, EMBED_DIMENSION), dtype=jnp.float32) * 0.02
    lin_b = jnp.zeros((VOCAB,), dtype=jnp.float32)
    return {"inputs_": inputs_, "embed_w": embed_w, "lin_w": lin_w, "lin_b": lin_b}

def reference(inputs_, embed_w, lin_w, lin_b):
    # nn.Embedding with max_norm=1: rows that are looked up are renormalized
    # (in-place, non-differentiable in torch) so their L2 norm is <= max_norm.
    rows = jnp.take(embed_w, inputs_, axis=0)  # [B, L, D] gather
    norms = jnp.linalg.norm(rows, axis=-1, keepdims=True)
    scale = jnp.minimum(1.0, EMBED_MAX_NORM / jnp.maximum(norms, 1e-7))
    rows = rows * jax.lax.stop_gradient(scale)
    x = rows.mean(axis=1)  # [B, D] CBOW context mean
    out = x @ lin_w.T + lin_b  # [B, VOCAB]
    return out

if __name__ == "__main__":
    import jax
    _d = setup_inputs()
    print(jax.jit(kernel)(*tuple(_d.values())))

</pallas_src>

<mosaic_0001>
#map = affine_map<(d0, d1) -> (0, 0)>
module attributes {stable_mosaic.version = 14 : i64} {
  func.func @gather_kernel(%arg0: i32, %arg1: i32, %arg2: memref<100000x128xf32, #tpu.memory_space<hbm>>, %arg3: memref<1x20480xi32, #tpu.memory_space<hbm>>, %arg4: memref<20480x128xf32, #tpu.memory_space<hbm>>) attributes {dimension_semantics = [#tpu.dimension_semantics<core_parallel>, #tpu.dimension_semantics<subcore_parallel>], iteration_bounds = array<i64: 2, 16>, scalar_prefetch = 0 : i64, scratch_operands = 0 : i64, tpu.core_type = #tpu.core_type<sc_vector_subcore>, window_params = [{transform_indices = #map}, {transform_indices = #map}, {transform_indices = #map}]} {
    %mul3A = arith.constant 1 : i32
    %mul3A_0 = arith.muli %arg1, %mul3A : i32
    %add3A = arith.constant 0 : i32
    %add3A_1 = arith.addi %add3A, %mul3A_0 : i32
    %mul3A_2 = arith.constant 16 : i32
    %mul3A_3 = arith.muli %arg0, %mul3A_2 : i32
    %add3A_4 = arith.addi %add3A_1, %mul3A_3 : i32
    %mul3A_5 = arith.constant 5 : i32
    %mul3A_6 = arith.muli %add3A_4, %mul3A_5 : i32
    "tpu.region"() ({
      %run_scoped3A = memref.alloca() : memref<2x1x128xi32, #tpu.memory_space<vmem>>
      %run_scoped3A_7 = tpu.sem_alloc : memref<2x!tpu.dma_semaphore, #tpu.memory_space<semaphore_mem>>
      %run_scoped3A_8 = memref.alloca() : memref<2x128x128xf32, #tpu.memory_space<vmem>>
      %run_scoped3A_9 = tpu.sem_alloc : memref<2x!tpu.dma_semaphore, #tpu.memory_space<semaphore_mem>>
      %add3A_10 = arith.constant 0 : i32
      %add3A_11 = arith.addi %add3A_10, %mul3A_6 : i32
      %select_n3A = arith.constant true
      %select_n3A_12 = arith.constant 0 : i32
      %select_n3A_13 = arith.constant -1 : i32
      %select_n3A_14 = arith.select %select_n3A, %select_n3A_13, %select_n3A_12 : i32
      %eq3A = arith.constant -1 : i32
      %eq3A_15 = arith.cmpi eq, %select_n3A_14, %eq3A : i32
      %select_n3A_16 = arith.constant 4 : i32
      %select_n3A_17 = arith.select %eq3A_15, %select_n3A_16, %select_n3A_14 : i32
      %add3A_18 = arith.addi %select_n3A_17, %mul3A_6 : i32
      %select_n3A_19 = arith.constant true
      %select_n3A_20 = arith.constant 0 : i32
      %select_n3A_21 = arith.constant 1 : i32
      %select_n3A_22 = arith.select %select_n3A_19, %select_n3A_21, %select_n3A_20 : i32
      %eq3A_23 = arith.constant 5 : i32
      %eq3A_24 = arith.cmpi eq, %select_n3A_22, %eq3A_23 : i32
      %select_n3A_25 = arith.constant 0 : i32
      %select_n3A_26 = arith.select %eq3A_24, %select_n3A_25, %select_n3A_22 : i32
      %add3A_27 = arith.addi %select_n3A_26, %mul3A_6 : i32
      %add3A_28 = arith.constant 1 : i32
      %add3A_29 = arith.addi %select_n3A_26, %add3A_28 : i32
      %select_n3A_30 = arith.constant true
      %select_n3A_31 = arith.select %select_n3A_30, %add3A_29, %select_n3A_26 : i32
      %eq3A_32 = arith.constant 5 : i32
      %eq3A_33 = arith.cmpi eq, %select_n3A_31, %eq3A_32 : i32
      %select_n3A_34 = arith.constant 0 : i32
      %select_n3A_35 = arith.select %eq3A_33, %select_n3A_34, %select_n3A_31 : i32
      %add3A_36 = arith.addi %select_n3A_35, %mul3A_6 : i32
      "tpu.trace_start"() <{level = 10 : i32, message = "ep_initialize_0"}> : () -> ()
      %rem3A = arith.constant 0 : i32
      %rem3A_37 = arith.constant 2 : i32
      %rem3A_38 = arith.remui %rem3A, %rem3A_37 : i32
      %mul3A_39 = arith.constant 128 : i32
      %mul3A_40 = arith.muli %mul3A_39, %add3A_11 : i32
      %dma_start3A = arith.constant 0 : i32
      %dma_start3A_41 = arith.constant 0 : i32
      %dma_start3A_42 = tpu.memref_slice %run_scoped3A[%rem3A_38, %dma_start3A, %dma_start3A_41] : memref<2x1x128xi32, #tpu.memory_space<vmem>> -> memref<1x1x128xi32, #tpu.memory_space<vmem>>
      %dma_start3A_43 = tpu.memref_squeeze %dma_start3A_42 : memref<1x1x128xi32, #tpu.memory_space<vmem>> -> memref<1x128xi32, #tpu.memory_space<vmem>>
      %dma_start3A_44 = arith.constant 0 : i32
      %dma_start3A_45 = tpu.memref_slice %arg3[%dma_start3A_44, %mul3A_40] : memref<1x20480xi32, #tpu.memory_space<hbm>> -> memref<1x128xi32, #tpu.memory_space<hbm>>
      %dma_start3A_46 = tpu.memref_slice %run_scoped3A_7[%rem3A_38] : memref<2x!tpu.dma_semaphore, #tpu.memory_space<semaphore_mem>> -> memref<1x!tpu.dma_semaphore, #tpu.memory_space<semaphore_mem>>
      %dma_start3A_47 = tpu.memref_squeeze %dma_start3A_46 : memref<1x!tpu.dma_semaphore, #tpu.memory_space<semaphore_mem>> -> memref<!tpu.dma_semaphore, #tpu.memory_space<semaphore_mem>>
      %dma_start3A_48 = arith.constant 0 : i32
      %dma_start3A_49 = arith.constant 0 : i32
      %dma_start3A_50 = tpu.memref_slice %run_scoped3A[%rem3A_38, %dma_start3A_48, %dma_start3A_49] : memref<2x1x128xi32, #tpu.memory_space<vmem>> -> memref<1x1x128xi32, #tpu.memory_space<vmem>>
      %dma_start3A_51 = tpu.memref_squeeze %dma_start3A_50 : memref<1x1x128xi32, #tpu.memory_space<vmem>> -> memref<1x128xi32, #tpu.memory_space<vmem>>
      %dma_start3A_52 = arith.constant 0 : i32
      %dma_start3A_53 = tpu.memref_slice %arg3[%dma_start3A_52, %mul3A_40] : memref<1x20480xi32, #tpu.memory_space<hbm>> -> memref<1x128xi32, #tpu.memory_space<hbm>>
      tpu.enqueue_dma source(%dma_start3A_53 : memref<1x128xi32, #tpu.memory_space<hbm>>) target(%dma_start3A_51 : memref<1x128xi32, #tpu.memory_space<vmem>>) target_semaphore(%dma_start3A_47 : memref<!tpu.dma_semaphore, #tpu.memory_space<semaphore_mem>>)
      %add3A_54 = arith.constant 0 : i32
      %add3A_55 = arith.constant 1 : i32
      %add3A_56 = arith.addi %add3A_54, %add3A_55 : i32
      %select_n3A_57 = arith.constant true
      %select_n3A_58 = arith.constant 0 : i32
      %select_n3A_59 = arith.select %select_n3A_57, %add3A_56, %select_n3A_58 : i32
      "tpu.trace_stop"() : () -> ()
      %scan3A = arith.constant 0 : i32
      %scan3A_60 = arith.constant 0 : i32
      %scan3A_61 = arith.constant 0 : i32
      %scan3A_62 = arith.constant 0 : i32
      %scan3A_63 = arith.constant 0 : i32
      %scan3A_64 = arith.constant 5 : i32
      %scan3A_65 = arith.addi %scan3A_63, %scan3A_64 : i32
      %scan3A_66 = arith.constant 1 : i32
      %scan3A_67:5 = scf.for %scan3A_121 = %scan3A_63 to %scan3A_65 step %scan3A_66 iter_args(%scan3A_122 = %select_n3A_59, %scan3A_123 = %scan3A, %scan3A_124 = %scan3A_60, %scan3A_125 = %scan3A_61, %scan3A_126 = %scan3A_62) -> (i32, i32, i32, i32, i32)  : i32 {
        %eq3A_127 = arith.constant 0 : i32
        %eq3A_128 = arith.cmpi eq, %scan3A_121, %eq3A_127 : i32
        %eq3A_129 = arith.constant 4 : i32
        %eq3A_130 = arith.cmpi eq, %scan3A_121, %eq3A_129 : i32
        %add3A_131 = arith.addi %scan3A_126, %mul3A_6 : i32
        %sub3A_132 = arith.constant 1 : i32
        %sub3A_133 = arith.subi %scan3A_126, %sub3A_132 : i32
        %select_n3A_134 = arith.constant true
        %select_n3A_135 = arith.select %select_n3A_134, %sub3A_133, %scan3A_126 : i32
        %eq3A_136 = arith.constant -1 : i32
        %eq3A_137 = arith.cmpi eq, %select_n3A_135, %eq3A_136 : i32
        %select_n3A_138 = arith.constant 4 : i32
        %select_n3A_139 = arith.select %eq3A_137, %select_n3A_138, %select_n3A_135 : i32
        %add3A_140 = arith.addi %select_n3A_139, %mul3A_6 : i32
        %add3A_141 = arith.constant 1 : i32
        %add3A_142 = arith.addi %scan3A_126, %add3A_141 : i32
        %select_n3A_143 = arith.constant true
        %select_n3A_144 = arith.select %select_n3A_143, %add3A_142, %scan3A_126 : i32
        %eq3A_145 = arith.constant 5 : i32
        %eq3A_146 = arith.cmpi eq, %select_n3A_144, %eq3A_145 : i32
        %select_n3A_147 = arith.constant 0 : i32
        %select_n3A_148 = arith.select %eq3A_146, %select_n3A_147, %select_n3A_144 : i32
        %add3A_149 = arith.addi %select_n3A_148, %mul3A_6 : i32
        %add3A_150 = arith.constant 1 : i32
        %add3A_151 = arith.addi %select_n3A_148, %add3A_150 : i32
        %select_n3A_152 = arith.constant true
        %select_n3A_153 = arith.select %select_n3A_152, %add3A_151, %select_n3A_148 : i32
        %eq3A_154 = arith.constant 5 : i32
        %eq3A_155 = arith.cmpi eq, %select_n3A_153, %eq3A_154 : i32
        %select_n3A_156 = arith.constant 0 : i32
        %select_n3A_157 = arith.select %eq3A_155, %select_n3A_156, %select_n3A_153 : i32
        %add3A_158 = arith.addi %select_n3A_157, %mul3A_6 : i32
        %ne3A = arith.cmpi ne, %add3A_131, %add3A_149 : i32
        %or3A = arith.constant false
        %or3A_159 = arith.ori %or3A, %ne3A : i1
        %ge3A = arith.constant 4 : i32
        %ge3A_160 = arith.cmpi sge, %scan3A_121, %ge3A : i32
        %not3A = arith.constant true
        %not3A_161 = arith.xori %ge3A_160, %not3A : i1
        %and3A = arith.andi %or3A_159, %not3A_161 : i1
        %convert_element_type3A = arith.extui %and3A : i1 to i32
        %cond3A = arith.constant 0 : i32
        %cond3A_162 = arith.cmpi ne, %convert_element_type3A, %cond3A : i32
        scf.if %cond3A_162 {
          "tpu.trace_start"() <{level = 10 : i32, message = "ep_copy_in"}> : () -> ()
          %rem3A_264 = arith.constant 2 : i32
          %rem3A_265 = arith.remui %scan3A_122, %rem3A_264 : i32
          %mul3A_266 = arith.constant 128 : i32
          %mul3A_267 = arith.muli %mul3A_266, %add3A_149 : i32
          %dma_start3A_268 = arith.constant 0 : i32
          %dma_start3A_269 = arith.constant 0 : i32
          %dma_start3A_270 = tpu.memref_slice %run_scoped3A[%rem3A_265, %dma_start3A_268, %dma_start3A_269] : memref<2x1x128xi32, #tpu.memory_space<vmem>> -> memref<1x1x128xi32, #tpu.memory_space<vmem>>
          %dma_start3A_271 = tpu.memref_squeeze %dma_start3A_270 : memref<1x1x128xi32, #tpu.memory_space<vmem>> -> memref<1x128xi32, #tpu.memory_space<vmem>>
          %dma_start3A_272 = arith.constant 0 : i32
          %dma_start3A_273 = tpu.memref_slice %arg3[%dma_start3A_272, %mul3A_267] : memref<1x20480xi32, #tpu.memory_space<hbm>> -> memref<1x128xi32, #tpu.memory_space<hbm>>
          %dma_start3A_274 = tpu.memref_slice %run_scoped3A_7[%rem3A_265] : memref<2x!tpu.dma_semaphore, #tpu.memory_space<semaphore_mem>> -> memref<1x!tpu.dma_semaphore, #tpu.memory_space<semaphore_mem>>
          %dma_start3A_275 = tpu.memref_squeeze %dma_start3A_274 : memref<1x!tpu.dma_semaphore, #tpu.memory_space<semaphore_mem>> -> memref<!tpu.dma_semaphore, #tpu.memory_space<semaphore_mem>>
          %dma_start3A_276 = arith.constant 0 : i32
          %dma_start3A_277 = arith.constant 0 : i32
          %dma_start3A_278 = tpu.memref_slice %run_scoped3A[%rem3A_265, %dma_start3A_276, %dma_start3A_277] : memref<2x1x128xi32, #tpu.memory_space<vmem>> -> memref<1x1x128xi32, #tpu.memory_space<vmem>>
          %dma_start3A_279 = tpu.memref_squeeze %dma_start3A_278 : memref<1x1x128xi32, #tpu.memory_space<vmem>> -> memref<1x128xi32, #tpu.memory_space<vmem>>
          %dma_start3A_280 = arith.constant 0 : i32
          %dma_start3A_281 = tpu.memref_slice %arg3[%dma_start3A_280, %mul3A_267] : memref<1x20480xi32, #tpu.memory_space<hbm>> -> memref<1x128xi32, #tpu.memory_space<hbm>>
          tpu.enqueue_dma source(%dma_start3A_281 : memref<1x128xi32, #tpu.memory_space<hbm>>) target(%dma_start3A_279 : memref<1x128xi32, #tpu.memory_space<vmem>>) target_semaphore(%dma_start3A_275 : memref<!tpu.dma_semaphore, #tpu.memory_space<semaphore_mem>>)
          "tpu.trace_stop"() : () -> ()
        } else {
        }
        %and3A_163 = arith.constant true
        %and3A_164 = arith.andi %and3A, %and3A_163 : i1
        %add3A_165 = arith.constant 1 : i32
        %add3A_166 = arith.addi %scan3A_122, %add3A_165 : i32
        %select_n3A_167 = arith.select %and3A_164, %add3A_166, %scan3A_122 : i32
        %ne3A_168 = arith.cmpi ne, %add3A_131, %add3A_149 : i32
        %or3A_169 = arith.constant false
        %or3A_170 = arith.ori %or3A_169, %ne3A_168 : i1
        %or3A_171 = arith.constant false
        %or3A_172 = arith.ori %or3A_170, %or3A_171 : i1
        %ge3A_173 = arith.constant 4 : i32
        %ge3A_174 = arith.cmpi sge, %scan3A_121, %ge3A_173 : i32
        %not3A_175 = arith.constant true
        %not3A_176 = arith.xori %ge3A_174, %not3A_175 : i1
        %and3A_177 = arith.andi %or3A_172, %not3A_176 : i1
        %ne3A_178 = arith.cmpi ne, %add3A_131, %add3A_140 : i32
        %or3A_179 = arith.constant false
        %or3A_180 = arith.ori %or3A_179, %ne3A_178 : i1
        %or3A_181 = arith.ori %or3A_180, %eq3A_128 : i1
        %convert_element_type3A_182 = arith.extui %or3A_181 : i1 to i32
        %cond3A_183 = arith.constant 0 : i32
        %cond3A_184 = arith.cmpi ne, %convert_element_type3A_182, %cond3A_183 : i32
        scf.if %cond3A_184 {
          "tpu.trace_start"() <{level = 10 : i32, message = "ep_wait_in"}> : () -> ()
          %mul3A_264 = arith.constant 128 : i32
          %mul3A_265 = arith.muli %mul3A_264, %add3A_131 : i32
          %rem3A_266 = arith.constant 2 : i32
          %rem3A_267 = arith.remui %scan3A_123, %rem3A_266 : i32
          %dma_wait3A_268 = arith.constant 0 : i32
          %dma_wait3A_269 = arith.constant 0 : i32
          %dma_wait3A_270 = tpu.memref_slice %run_scoped3A[%rem3A_267, %dma_wait3A_268, %dma_wait3A_269] : memref<2x1x128xi32, #tpu.memory_space<vmem>> -> memref<1x1x128xi32, #tpu.memory_space<vmem>>
          %dma_wait3A_271 = tpu.memref_squeeze %dma_wait3A_270 : memref<1x1x128xi32, #tpu.memory_space<vmem>> -> memref<1x128xi32, #tpu.memory_space<vmem>>
          %dma_wait3A_272 = arith.constant 0 : i32
          %dma_wait3A_273 = tpu.memref_slice %arg3[%dma_wait3A_272, %mul3A_265] : memref<1x20480xi32, #tpu.memory_space<hbm>> -> memref<1x128xi32, #tpu.memory_space<hbm>>
          %dma_wait3A_274 = tpu.memref_slice %run_scoped3A_7[%rem3A_267] : memref<2x!tpu.dma_semaphore, #tpu.memory_space<semaphore_mem>> -> memref<1x!tpu.dma_semaphore, #tpu.memory_space<semaphore_mem>>
          %dma_wait3A_275 = tpu.memref_squeeze %dma_wait3A_274 : memref<1x!tpu.dma_semaphore, #tpu.memory_space<semaphore_mem>> -> memref<!tpu.dma_semaphore, #tpu.memory_space<semaphore_mem>>
          %dma_wait3A_276 = arith.constant 0 : i32
          %dma_wait3A_277 = arith.constant 0 : i32
          %dma_wait3A_278 = tpu.memref_slice %run_scoped3A[%rem3A_267, %dma_wait3A_276, %dma_wait3A_277] : memref<2x1x128xi32, #tpu.memory_space<vmem>> -> memref<1x1x128xi32, #tpu.memory_space<vmem>>
          %dma_wait3A_279 = tpu.memref_squeeze %dma_wait3A_278 : memref<1x1x128xi32, #tpu.memory_space<vmem>> -> memref<1x128xi32, #tpu.memory_space<vmem>>
          %dma_wait3A_280 = arith.constant 0 : i32
          %dma_wait3A_281 = tpu.memref_slice %arg3[%dma_wait3A_280, %mul3A_265] : memref<1x20480xi32, #tpu.memory_space<hbm>> -> memref<1x128xi32, #tpu.memory_space<hbm>>
          tpu.wait_dma2 semaphore(%dma_wait3A_275 : memref<!tpu.dma_semaphore, #tpu.memory_space<semaphore_mem>>) src(%dma_wait3A_281 : memref<1x128xi32, #tpu.memory_space<hbm>>) dst(%dma_wait3A_279 : memref<1x128xi32, #tpu.memory_space<vmem>>)
          "tpu.trace_stop"() : () -> ()
        } else {
        }
        %ne3A_185 = arith.cmpi ne, %add3A_131, %add3A_140 : i32
        %or3A_186 = arith.constant false
        %or3A_187 = arith.ori %or3A_186, %ne3A_185 : i1
        %or3A_188 = arith.constant false
        %or3A_189 = arith.ori %or3A_187, %or3A_188 : i1
        %or3A_190 = arith.ori %or3A_189, %eq3A_128 : i1
        %convert_element_type3A_191 = arith.extui %or3A_190 : i1 to i32
        %cond3A_192 = arith.constant 0 : i32
        %cond3A_193 = arith.cmpi ne, %convert_element_type3A_191, %cond3A_192 : i32
        scf.if %cond3A_193 {
        } else {
        }
        %rem3A_194 = arith.constant 2 : i32
        %rem3A_195 = arith.remui %scan3A_123, %rem3A_194 : i32
        %rem3A_196 = arith.constant 2 : i32
        %rem3A_197 = arith.remui %scan3A_124, %rem3A_196 : i32
        %run_scoped3A_198 = arith.constant 0 : i32
        "tpu.trace_start"() <{level = 10 : i32, message = "ep_run_kernel"}> : () -> ()
        "tpu.region"() ({
          %run_scoped3A_264 = tpu.sem_alloc : memref<!tpu.dma_semaphore, #tpu.memory_space<semaphore_mem>>
          %dma_start3A_265 = arith.constant 0 : i32
          %dma_start3A_266 = arith.constant 0 : i32
          %dma_start3A_267 = tpu.memref_slice %run_scoped3A_8[%rem3A_197, %dma_start3A_265, %dma_start3A_266] : memref<2x128x128xf32, #tpu.memory_space<vmem>> -> memref<1x128x128xf32, #tpu.memory_space<vmem>>
          %dma_start3A_268 = tpu.memref_squeeze %dma_start3A_267 : memref<1x128x128xf32, #tpu.memory_space<vmem>> -> memref<128x128xf32, #tpu.memory_space<vmem>>
          %dma_start3A_269 = arith.constant 0 : i32
          %dma_start3A_270 = arith.constant 0 : i32
          %dma_start3A_271 = tpu.memref_slice %run_scoped3A[%rem3A_195, %dma_start3A_269, %dma_start3A_270] : memref<2x1x128xi32, #tpu.memory_space<vmem>> -> memref<1x1x128xi32, #tpu.memory_space<vmem>>
          %dma_start3A_272 = tpu.memref_squeeze %dma_start3A_271 : memref<1x1x128xi32, #tpu.memory_space<vmem>> -> memref<1x128xi32, #tpu.memory_space<vmem>>
          %dma_start3A_273 = arith.constant 0 : i32
          %dma_start3A_274 = tpu.memref_slice %dma_start3A_272[%run_scoped3A_198, %dma_start3A_273] : memref<1x128xi32, #tpu.memory_space<vmem>> -> memref<1x128xi32, #tpu.memory_space<vmem>>
          %dma_start3A_275 = tpu.memref_squeeze %dma_start3A_274 : memref<1x128xi32, #tpu.memory_space<vmem>> -> memref<128xi32, #tpu.memory_space<vmem>>
          %dma_start3A_276 = arith.constant 0 : i32
          %dma_start3A_277 = arith.constant 0 : i32
          %dma_start3A_278 = tpu.memref_slice %arg2[%dma_start3A_276, %dma_start3A_277] : memref<100000x128xf32, #tpu.memory_space<hbm>> -> memref<100000x128xf32, #tpu.memory_space<hbm>>
          tpu.enqueue_indirect_dma source(%dma_start3A_278 : memref<100000x128xf32, #tpu.memory_space<hbm>>) target(%dma_start3A_268 : memref<128x128xf32, #tpu.memory_space<vmem>>) offsets(%dma_start3A_275 : memref<128xi32, #tpu.memory_space<vmem>>) semaphore(%run_scoped3A_264 : memref<!tpu.dma_semaphore, #tpu.memory_space<semaphore_mem>>)
          %dma_wait3A_279 = arith.constant 0 : i32
          %dma_wait3A_280 = arith.constant 0 : i32
          %dma_wait3A_281 = tpu.memref_slice %run_scoped3A_8[%rem3A_197, %dma_wait3A_279, %dma_wait3A_280] : memref<2x128x128xf32, #tpu.memory_space<vmem>> -> memref<1x128x128xf32, #tpu.memory_space<vmem>>
          %dma_wait3A_282 = tpu.memref_squeeze %dma_wait3A_281 : memref<1x128x128xf32, #tpu.memory_space<vmem>> -> memref<128x128xf32, #tpu.memory_space<vmem>>
          %dma_wait3A_283 = arith.constant 0 : i32
          %dma_wait3A_284 = arith.constant 0 : i32
          %dma_wait3A_285 = tpu.memref_slice %run_scoped3A[%rem3A_195, %dma_wait3A_283, %dma_wait3A_284] : memref<2x1x128xi32, #tpu.memory_space<vmem>> -> memref<1x1x128xi32, #tpu.memory_space<vmem>>
          %dma_wait3A_286 = tpu.memref_squeeze %dma_wait3A_285 : memref<1x1x128xi32, #tpu.memory_space<vmem>> -> memref<1x128xi32, #tpu.memory_space<vmem>>
          %dma_wait3A_287 = arith.constant 0 : i32
          %dma_wait3A_288 = tpu.memref_slice %dma_wait3A_286[%run_scoped3A_198, %dma_wait3A_287] : memref<1x128xi32, #tpu.memory_space<vmem>> -> memref<1x128xi32, #tpu.memory_space<vmem>>
          %dma_wait3A_289 = tpu.memref_squeeze %dma_wait3A_288 : memref<1x128xi32, #tpu.memory_space<vmem>> -> memref<128xi32, #tpu.memory_space<vmem>>
          %dma_wait3A_290 = arith.constant 0 : i32
          %dma_wait3A_291 = arith.constant 0 : i32
          %dma_wait3A_292 = tpu.memref_slice %arg2[%dma_wait3A_290, %dma_wait3A_291] : memref<100000x128xf32, #tpu.memory_space<hbm>> -> memref<100000x128xf32, #tpu.memory_space<hbm>>
          tpu.wait_indirect_dma semaphore(%run_scoped3A_264 : memref<!tpu.dma_semaphore, #tpu.memory_space<semaphore_mem>>) src(%dma_wait3A_292 : memref<100000x128xf32, #tpu.memory_space<hbm>>) dst(%dma_wait3A_282 : memref<128x128xf32, #tpu.memory_space<vmem>>)
          tpu.yield
        }) : () -> ()
        "tpu.trace_stop"() : () -> ()
        %ne3A_199 = arith.cmpi ne, %add3A_131, %add3A_149 : i32
        %or3A_200 = arith.constant false
        %or3A_201 = arith.ori %or3A_200, %ne3A_199 : i1
        %or3A_202 = arith.ori %or3A_201, %eq3A_130 : i1
        %convert_element_type3A_203 = arith.extui %or3A_202 : i1 to i32
        %cond3A_204 = arith.constant 0 : i32
        %cond3A_205 = arith.cmpi ne, %convert_element_type3A_203, %cond3A_204 : i32
        scf.if %cond3A_205 {
        } else {
        }
        %and3A_206 = arith.constant false
        %and3A_207 = arith.andi %or3A_202, %and3A_206 : i1
        %ne3A_208 = arith.cmpi ne, %add3A_131, %add3A_149 : i32
        %or3A_209 = arith.constant false
        %or3A_210 = arith.ori %or3A_209, %ne3A_208 : i1
        %or3A_211 = arith.constant false
        %or3A_212 = arith.ori %or3A_210, %or3A_211 : i1
        %or3A_213 = arith.ori %or3A_212, %eq3A_130 : i1
        %convert_element_type3A_214 = arith.extui %or3A_213 : i1 to i32
        %cond3A_215 = arith.constant 0 : i32
        %cond3A_216 = arith.cmpi ne, %convert_element_type3A_214, %cond3A_215 : i32
        scf.if %cond3A_216 {
          "tpu.trace_start"() <{level = 10 : i32, message = "ep_copy_out"}> : () -> ()
          %rem3A_264 = arith.constant 2 : i32
          %rem3A_265 = arith.remui %scan3A_124, %rem3A_264 : i32
          %mul3A_266 = arith.constant 128 : i32
          %mul3A_267 = arith.muli %mul3A_266, %add3A_131 : i32
          %dma_start3A_268 = arith.constant 0 : i32
          %dma_start3A_269 = arith.constant 0 : i32
          %dma_start3A_270 = tpu.memref_slice %run_scoped3A_8[%rem3A_265, %dma_start3A_268, %dma_start3A_269] : memref<2x128x128xf32, #tpu.memory_space<vmem>> -> memref<1x128x128xf32, #tpu.memory_space<vmem>>
          %dma_start3A_271 = tpu.memref_squeeze %dma_start3A_270 : memref<1x128x128xf32, #tpu.memory_space<vmem>> -> memref<128x128xf32, #tpu.memory_space<vmem>>
          %dma_start3A_272 = arith.constant 0 : i32
          %dma_start3A_273 = tpu.memref_slice %arg4[%mul3A_267, %dma_start3A_272] : memref<20480x128xf32, #tpu.memory_space<hbm>> -> memref<128x128xf32, #tpu.memory_space<hbm>>
          %dma_start3A_274 = tpu.memref_slice %run_scoped3A_9[%rem3A_265] : memref<2x!tpu.dma_semaphore, #tpu.memory_space<semaphore_mem>> -> memref<1x!tpu.dma_semaphore, #tpu.memory_space<semaphore_mem>>
          %dma_start3A_275 = tpu.memref_squeeze %dma_start3A_274 : memref<1x!tpu.dma_semaphore, #tpu.memory_space<semaphore_mem>> -> memref<!tpu.dma_semaphore, #tpu.memory_space<semaphore_mem>>
          %dma_start3A_276 = arith.constant 0 : i32
          %dma_start3A_277 = tpu.memref_slice %arg4[%mul3A_267, %dma_start3A_276] : memref<20480x128xf32, #tpu.memory_space<hbm>> -> memref<128x128xf32, #tpu.memory_space<hbm>>
          %dma_start3A_278 = arith.constant 0 : i32
          %dma_start3A_279 = arith.constant 0 : i32
          %dma_start3A_280 = tpu.memref_slice %run_scoped3A_8[%rem3A_265, %dma_start3A_278, %dma_start3A_279] : memref<2x128x128xf32, #tpu.memory_space<vmem>> -> memref<1x128x128xf32, #tpu.memory_space<vmem>>
          %dma_start3A_281 = tpu.memref_squeeze %dma_start3A_280 : memref<1x128x128xf32, #tpu.memory_space<vmem>> -> memref<128x128xf32, #tpu.memory_space<vmem>>
          tpu.enqueue_dma source(%dma_start3A_281 : memref<128x128xf32, #tpu.memory_space<vmem>>) target(%dma_start3A_277 : memref<128x128xf32, #tpu.memory_space<hbm>>) target_semaphore(%dma_start3A_275 : memref<!tpu.dma_semaphore, #tpu.memory_space<semaphore_mem>>)
          "tpu.trace_stop"() : () -> ()
        } else {
        }
        %and3A_217 = arith.constant true
        %and3A_218 = arith.andi %or3A_213, %and3A_217 : i1
        %add3A_219 = arith.constant 1 : i32
        %add3A_220 = arith.addi %scan3A_124, %add3A_219 : i32
        %select_n3A_221 = arith.select %and3A_218, %add3A_220, %scan3A_124 : i32
        %ne3A_222 = arith.cmpi ne, %add3A_131, %add3A_140 : i32
        %or3A_223 = arith.constant false
        %or3A_224 = arith.ori %or3A_223, %ne3A_222 : i1
        %not3A_225 = arith.constant true
        %not3A_226 = arith.xori %eq3A_128, %not3A_225 : i1
        %and3A_227 = arith.andi %or3A_224, %not3A_226 : i1
        %convert_element_type3A_228 = arith.extui %and3A_227 : i1 to i32
        %cond3A_229 = arith.constant 0 : i32
        %cond3A_230 = arith.cmpi ne, %convert_element_type3A_228, %cond3A_229 : i32
        scf.if %cond3A_230 {
        } else {
        }
        %and3A_231 = arith.constant false
        %and3A_232 = arith.andi %and3A_227, %and3A_231 : i1
        %ne3A_233 = arith.cmpi ne, %add3A_131, %add3A_140 : i32
        %or3A_234 = arith.constant false
        %or3A_235 = arith.ori %or3A_234, %ne3A_233 : i1
        %or3A_236 = arith.constant false
        %or3A_237 = arith.ori %or3A_235, %or3A_236 : i1
        %not3A_238 = arith.constant true
        %not3A_239 = arith.xori %eq3A_128, %not3A_238 : i1
        %and3A_240 = arith.andi %or3A_237, %not3A_239 : i1
        %convert_element_type3A_241 = arith.extui %and3A_240 : i1 to i32
        %cond3A_242 = arith.constant 0 : i32
        %cond3A_243 = arith.cmpi ne, %convert_element_type3A_241, %cond3A_242 : i32
        scf.if %cond3A_243 {
          "tpu.trace_start"() <{level = 10 : i32, message = "ep_wait_out"}> : () -> ()
          %rem3A_264 = arith.constant 2 : i32
          %rem3A_265 = arith.remui %scan3A_125, %rem3A_264 : i32
          %mul3A_266 = arith.constant 128 : i32
          %mul3A_267 = arith.muli %mul3A_266, %add3A_140 : i32
          %dma_wait3A_268 = arith.constant 0 : i32
          %dma_wait3A_269 = arith.constant 0 : i32
          %dma_wait3A_270 = tpu.memref_slice %run_scoped3A_8[%rem3A_265, %dma_wait3A_268, %dma_wait3A_269] : memref<2x128x128xf32, #tpu.memory_space<vmem>> -> memref<1x128x128xf32, #tpu.memory_space<vmem>>
          %dma_wait3A_271 = tpu.memref_squeeze %dma_wait3A_270 : memref<1x128x128xf32, #tpu.memory_space<vmem>> -> memref<128x128xf32, #tpu.memory_space<vmem>>
          %dma_wait3A_272 = arith.constant 0 : i32
          %dma_wait3A_273 = tpu.memref_slice %arg4[%mul3A_267, %dma_wait3A_272] : memref<20480x128xf32, #tpu.memory_space<hbm>> -> memref<128x128xf32, #tpu.memory_space<hbm>>
          %dma_wait3A_274 = tpu.memref_slice %run_scoped3A_9[%rem3A_265] : memref<2x!tpu.dma_semaphore, #tpu.memory_space<semaphore_mem>> -> memref<1x!tpu.dma_semaphore, #tpu.memory_space<semaphore_mem>>
          %dma_wait3A_275 = tpu.memref_squeeze %dma_wait3A_274 : memref<1x!tpu.dma_semaphore, #tpu.memory_space<semaphore_mem>> -> memref<!tpu.dma_semaphore, #tpu.memory_space<semaphore_mem>>
          %dma_wait3A_276 = arith.constant 0 : i32
          %dma_wait3A_277 = tpu.memref_slice %arg4[%mul3A_267, %dma_wait3A_276] : memref<20480x128xf32, #tpu.memory_space<hbm>> -> memref<128x128xf32, #tpu.memory_space<hbm>>
          %dma_wait3A_278 = arith.constant 0 : i32
          %dma_wait3A_279 = arith.constant 0 : i32
          %dma_wait3A_280 = tpu.memref_slice %run_scoped3A_8[%rem3A_265, %dma_wait3A_278, %dma_wait3A_279] : memref<2x128x128xf32, #tpu.memory_space<vmem>> -> memref<1x128x128xf32, #tpu.memory_space<vmem>>
          %dma_wait3A_281 = tpu.memref_squeeze %dma_wait3A_280 : memref<1x128x128xf32, #tpu.memory_space<vmem>> -> memref<128x128xf32, #tpu.memory_space<vmem>>
          tpu.wait_dma2 semaphore(%dma_wait3A_275 : memref<!tpu.dma_semaphore, #tpu.memory_space<semaphore_mem>>) src(%dma_wait3A_281 : memref<128x128xf32, #tpu.memory_space<vmem>>) dst(%dma_wait3A_277 : memref<128x128xf32, #tpu.memory_space<hbm>>)
          "tpu.trace_stop"() : () -> ()
        } else {
        }
        %and3A_244 = arith.constant true
        %and3A_245 = arith.andi %and3A_240, %and3A_244 : i1
        %add3A_246 = arith.constant 1 : i32
        %add3A_247 = arith.addi %scan3A_125, %add3A_246 : i32
        %select_n3A_248 = arith.select %and3A_245, %add3A_247, %scan3A_125 : i32
        %ne3A_249 = arith.cmpi ne, %add3A_131, %add3A_149 : i32
        %or3A_250 = arith.constant false
        %or3A_251 = arith.ori %or3A_250, %ne3A_249 : i1
        %or3A_252 = arith.ori %or3A_251, %eq3A_130 : i1
        %add3A_253 = arith.constant 1 : i32
        %add3A_254 = arith.addi %scan3A_123, %add3A_253 : i32
        %select_n3A_255 = arith.select %or3A_252, %add3A_254, %scan3A_123 : i32
        %add3A_256 = arith.constant 1 : i32
        %add3A_257 = arith.addi %scan3A_126, %add3A_256 : i32
        %select_n3A_258 = arith.constant true
        %select_n3A_259 = arith.select %select_n3A_258, %add3A_257, %scan3A_126 : i32
        %eq3A_260 = arith.constant 5 : i32
        %eq3A_261 = arith.cmpi eq, %select_n3A_259, %eq3A_260 : i32
        %select_n3A_262 = arith.constant 0 : i32
        %select_n3A_263 = arith.select %eq3A_261, %select_n3A_262, %select_n3A_259 : i32
        scf.yield %select_n3A_167, %select_n3A_255, %select_n3A_221, %select_n3A_248, %select_n3A_263 : i32, i32, i32, i32, i32
      }
      %scan3A_68 = arith.constant 5 : i32
      %sub3A = arith.constant 1 : i32
      %sub3A_69 = arith.subi %scan3A_67#4, %sub3A : i32
      %select_n3A_70 = arith.constant true
      %select_n3A_71 = arith.select %select_n3A_70, %sub3A_69, %scan3A_67#4 : i32
      %eq3A_72 = arith.constant -1 : i32
      %eq3A_73 = arith.cmpi eq, %select_n3A_71, %eq3A_72 : i32
      %select_n3A_74 = arith.constant 4 : i32
      %select_n3A_75 = arith.select %eq3A_73, %select_n3A_74, %select_n3A_71 : i32
      %add3A_76 = arith.addi %select_n3A_75, %mul3A_6 : i32
      %sub3A_77 = arith.constant 1 : i32
      %sub3A_78 = arith.subi %select_n3A_75, %sub3A_77 : i32
      %select_n3A_79 = arith.constant true
      %select_n3A_80 = arith.select %select_n3A_79, %sub3A_78, %select_n3A_75 : i32
      %eq3A_81 = arith.constant -1 : i32
      %eq3A_82 = arith.cmpi eq, %select_n3A_80, %eq3A_81 : i32
      %select_n3A_83 = arith.constant 4 : i32
      %select_n3A_84 = arith.select %eq3A_82, %select_n3A_83, %select_n3A_80 : i32
      %add3A_85 = arith.addi %select_n3A_84, %mul3A_6 : i32
      %add3A_86 = arith.constant 1 : i32
      %add3A_87 = arith.addi %select_n3A_75, %add3A_86 : i32
      %select_n3A_88 = arith.constant true
      %select_n3A_89 = arith.select %select_n3A_88, %add3A_87, %select_n3A_75 : i32
      %eq3A_90 = arith.constant 5 : i32
      %eq3A_91 = arith.cmpi eq, %select_n3A_89, %eq3A_90 : i32
      %select_n3A_92 = arith.constant 0 : i32
      %select_n3A_93 = arith.select %eq3A_91, %select_n3A_92, %select_n3A_89 : i32
      %add3A_94 = arith.addi %select_n3A_93, %mul3A_6 : i32
      %add3A_95 = arith.constant 1 : i32
      %add3A_96 = arith.addi %select_n3A_93, %add3A_95 : i32
      %select_n3A_97 = arith.constant true
      %select_n3A_98 = arith.select %select_n3A_97, %add3A_96, %select_n3A_93 : i32
      %eq3A_99 = arith.constant 5 : i32
      %eq3A_100 = arith.cmpi eq, %select_n3A_98, %eq3A_99 : i32
      %select_n3A_101 = arith.constant 0 : i32
      %select_n3A_102 = arith.select %eq3A_100, %select_n3A_101, %select_n3A_98 : i32
      %add3A_103 = arith.addi %select_n3A_102, %mul3A_6 : i32
      "tpu.trace_start"() <{level = 10 : i32, message = "ep_finalize"}> : () -> ()
      %rem3A_104 = arith.constant 2 : i32
      %rem3A_105 = arith.remui %scan3A_67#3, %rem3A_104 : i32
      %mul3A_106 = arith.constant 128 : i32
      %mul3A_107 = arith.muli %mul3A_106, %add3A_76 : i32
      %dma_wait3A = arith.constant 0 : i32
      %dma_wait3A_108 = arith.constant 0 : i32
      %dma_wait3A_109 = tpu.memref_slice %run_scoped3A_8[%rem3A_105, %dma_wait3A, %dma_wait3A_108] : memref<2x128x128xf32, #tpu.memory_space<vmem>> -> memref<1x128x128xf32, #tpu.memory_space<vmem>>
      %dma_wait3A_110 = tpu.memref_squeeze %dma_wait3A_109 : memref<1x128x128xf32, #tpu.memory_space<vmem>> -> memref<128x128xf32, #tpu.memory_space<vmem>>
      %dma_wait3A_111 = arith.constant 0 : i32
      %dma_wait3A_112 = tpu.memref_slice %arg4[%mul3A_107, %dma_wait3A_111] : memref<20480x128xf32, #tpu.memory_space<hbm>> -> memref<128x128xf32, #tpu.memory_space<hbm>>
      %dma_wait3A_113 = tpu.memref_slice %run_scoped3A_9[%rem3A_105] : memref<2x!tpu.dma_semaphore, #tpu.memory_space<semaphore_mem>> -> memref<1x!tpu.dma_semaphore, #tpu.memory_space<semaphore_mem>>
      %dma_wait3A_114 = tpu.memref_squeeze %dma_wait3A_113 : memref<1x!tpu.dma_semaphore, #tpu.memory_space<semaphore_mem>> -> memref<!tpu.dma_semaphore, #tpu.memory_space<semaphore_mem>>
      %dma_wait3A_115 = arith.constant 0 : i32
      %dma_wait3A_116 = tpu.memref_slice %arg4[%mul3A_107, %dma_wait3A_115] : memref<20480x128xf32, #tpu.memory_space<hbm>> -> memref<128x128xf32, #tpu.memory_space<hbm>>
      %dma_wait3A_117 = arith.constant 0 : i32
      %dma_wait3A_118 = arith.constant 0 : i32
      %dma_wait3A_119 = tpu.memref_slice %run_scoped3A_8[%rem3A_105, %dma_wait3A_117, %dma_wait3A_118] : memref<2x128x128xf32, #tpu.memory_space<vmem>> -> memref<1x128x128xf32, #tpu.memory_space<vmem>>
      %dma_wait3A_120 = tpu.memref_squeeze %dma_wait3A_119 : memref<1x128x128xf32, #tpu.memory_space<vmem>> -> memref<128x128xf32, #tpu.memory_space<vmem>>
      tpu.wait_dma2 semaphore(%dma_wait3A_114 : memref<!tpu.dma_semaphore, #tpu.memory_space<semaphore_mem>>) src(%dma_wait3A_120 : memref<128x128xf32, #tpu.memory_space<vmem>>) dst(%dma_wait3A_116 : memref<128x128xf32, #tpu.memory_space<hbm>>)
      "tpu.trace_stop"() : () -> ()
      tpu.yield
    }) : () -> ()
    return
  }
}

module attributes {stable_mosaic.version = 14 : i64} {
  func.func @_pad_body(%arg0: i32, %arg1: memref<5000x50xf32, #tpu.memory_space<vmem>>, %arg2: memref<5000x128xf32, #tpu.memory_space<vmem>>) attributes {dimension_semantics = [#tpu.dimension_semantics<arbitrary>], iteration_bounds = array<i64: 20>, scalar_prefetch = 0 : i64, scratch_operands = 0 : i64, tpu.core_type = #tpu.core_type<tc>, window_params = [{transform_indices = @transform_0, window_bounds = array<i64: 5000, 50>}, {transform_indices = @transform_1, window_bounds = array<i64: 5000, 128>}]} {
    %get3A = arith.constant 0 : index
    %get3A_0 = arith.constant 0 : index
    %get3A_1 = vector.load %arg1[%get3A, %get3A_0] : memref<5000x50xf32, #tpu.memory_space<vmem>>, vector<5000x50xf32>
    %broadcast_in_dim3A = arith.constant 0.000000e+00 : f32
    %broadcast_in_dim3A_2 = vector.broadcast %broadcast_in_dim3A : f32 to vector<5000x78xf32>
    %concatenate3A = tpu.concatenate %get3A_1, %broadcast_in_dim3A_2 in 1 : vector<5000x50xf32>, vector<5000x78xf32> -> vector<5000x128xf32>
    %swap3A = arith.constant 0 : index
    %swap3A_3 = arith.constant 0 : index
    %swap3A_4 = vector.load %arg2[%swap3A, %swap3A_3] : memref<5000x128xf32, #tpu.memory_space<vmem>>, vector<5000x128xf32>
    tpu.vector_store %arg2[%swap3A, %swap3A_3], %concatenate3A {strides = array<i32>} : memref<5000x128xf32, #tpu.memory_space<vmem>>, vector<5000x128xf32>,
    return
  }
  func.func @transform_0(%arg0: i32) -> (i32, i32) {
    %c0_i32 = arith.constant 0 : i32
    %c0_i32_0 = arith.constant 0 : i32
    return %arg0, %c0_i32 : i32, i32
  }
  func.func @transform_1(%arg0: i32) -> (i32, i32) {
    %c0_i32 = arith.constant 0 : i32
    %c0_i32_0 = arith.constant 0 : i32
    return %arg0, %c0_i32 : i32, i32
  }
}

module attributes {stable_mosaic.version = 14 : i64} {
  func.func @_proj_body(%arg0: memref<20480x128xf32, #tpu.memory_space<vmem>>, %arg1: memref<50x100000xbf16, #tpu.memory_space<vmem>>, %arg2: memref<1x100000xf32, #tpu.memory_space<vmem>>, %arg3: memref<1024x100000xf32, #tpu.memory_space<any>>, %arg4: memref<1024x50xbf16, #tpu.memory_space<vmem>>, %arg5: memref<3x16x100000xf32, #tpu.memory_space<vmem>>, %arg6: memref<3x!tpu.dma_semaphore, #tpu.memory_space<semaphore_mem>>) attributes {dimension_semantics = [], scalar_prefetch = 0 : i64, scratch_operands = 3 : i64, tpu.core_type = #tpu.core_type<tc>} {
    %get3A = arith.constant 0 : index
    %get3A_0 = arith.constant 0 : index
    %get3A_1 = vector.load %arg0[%get3A, %get3A_0] : memref<20480x128xf32, #tpu.memory_space<vmem>>, vector<20480x128xf32>
    %reshape3A = vector.shape_cast %get3A_1 : vector<20480x128xf32> to vector<1024x20x128xf32>
    %mul3A = arith.mulf %reshape3A, %reshape3A : vector<1024x20x128xf32>
    %reduce_sum3A = arith.constant dense<0.000000e+00> : vector<1024x20xf32>
    %reduce_sum3A_2 = vector.multi_reduction <add>, %mul3A, %reduce_sum3A [2] : vector<1024x20x128xf32> to vector<1024x20xf32>
    %broadcast_in_dim3A = vector.shape_cast %reduce_sum3A_2 : vector<1024x20xf32> to vector<1024x20x1xf32>
    %sqrt3A = math.sqrt %broadcast_in_dim3A : vector<1024x20x1xf32>
    %max3A = arith.constant 1.000000e-07 : f32
    %max3A_3 = vector.broadcast %max3A : f32 to vector<1024x20x1xf32>
    %max3A_4 = arith.maximumf %sqrt3A, %max3A_3 : vector<1024x20x1xf32>
    %div3A = arith.constant 1.000000e+00 : f32
    %div3A_5 = vector.broadcast %div3A : f32 to vector<1024x20x1xf32>
    %div3A_6 = arith.divf %div3A_5, %max3A_4 : vector<1024x20x1xf32>
    %min3A = arith.constant 1.000000e+00 : f32
    %min3A_7 = vector.broadcast %min3A : f32 to vector<1024x20x1xf32>
    %min3A_8 = arith.minimumf %min3A_7, %div3A_6 : vector<1024x20x1xf32>
    %mul3A_9 = vector.broadcast %min3A_8 : vector<1024x20x1xf32> to vector<1024x20x128xf32>
    %mul3A_10 = arith.mulf %reshape3A, %mul3A_9 : vector<1024x20x128xf32>
    %reduce_sum3A_11 = arith.constant dense<0.000000e+00> : vector<1024x128xf32>
    %reduce_sum3A_12 = vector.multi_reduction <add>, %mul3A_10, %reduce_sum3A_11 [1] : vector<1024x20x128xf32> to vector<1024x128xf32>
    %div3A_13 = arith.constant 2.000000e+01 : f32
    %div3A_14 = vector.broadcast %div3A_13 : f32 to vector<1024x128xf32>
    %div3A_15 = arith.divf %reduce_sum3A_12, %div3A_14 : vector<1024x128xf32>
    %slice3A = vector.extract_strided_slice %div3A_15 {offsets = [0, 0], sizes = [1024, 50], strides = [1, 1]} : vector<1024x128xf32> to vector<1024x50xf32>
    %convert_element_type3A = arith.truncf %slice3A : vector<1024x50xf32> to vector<1024x50xbf16>
    %swap3A = arith.constant 0 : index
    %swap3A_16 = arith.constant 0 : index
    %swap3A_17 = vector.load %arg4[%swap3A, %swap3A_16] : memref<1024x50xbf16, #tpu.memory_space<vmem>>, vector<1024x50xbf16>
    tpu.vector_store %arg4[%swap3A, %swap3A_16], %convert_element_type3A {strides = array<i32>} : memref<1024x50xbf16, #tpu.memory_space<vmem>>, vector<1024x50xbf16>,
    %get3A_18 = arith.constant 0 : index
    %get3A_19 = arith.constant 0 : index
    %get3A_20 = vector.load %arg1[%get3A_18, %get3A_19] : memref<50x100000xbf16, #tpu.memory_space<vmem>>, vector<50x100000xbf16>
    %get3A_21 = arith.constant 0 : index
    %get3A_22 = arith.constant 0 : index
    %get3A_23 = vector.load %arg2[%get3A_21, %get3A_22] : memref<1x100000xf32, #tpu.memory_space<vmem>>, vector<1x100000xf32>
    %scan3A = arith.constant 0 : i32
    %scan3A_24 = arith.constant 64 : i32
    %scan3A_25 = arith.addi %scan3A, %scan3A_24 : i32
    %scan3A_26 = arith.constant 1 : i32
    scf.for %scan3A_33 = %scan3A to %scan3A_25 step %scan3A_26  : i32 {
      %mul3A_34 = arith.constant 1 : i32
      %mul3A_35 = arith.muli %scan3A_33, %mul3A_34 : i32
      %add3A = arith.constant 0 : i32
      %add3A_36 = arith.addi %add3A, %mul3A_35 : i32
      %rem3A = arith.constant 3 : i32
      %rem3A_37 = arith.remsi %add3A_36, %rem3A : i32
      %ge3A = arith.constant 3 : i32
      %ge3A_38 = arith.cmpi sge, %add3A_36, %ge3A : i32
      %convert_element_type3A_39 = arith.extui %ge3A_38 : i1 to i32
      %cond3A = arith.constant 0 : i32
      %cond3A_40 = arith.cmpi ne, %convert_element_type3A_39, %cond3A : i32
      scf.if %cond3A_40 {
        %sub3A = arith.constant 3 : i32
        %sub3A_64 = arith.subi %add3A_36, %sub3A : i32
        %mul3A_65 = arith.constant 16 : i32
        %mul3A_66 = arith.muli %sub3A_64, %mul3A_65 : i32
        %dma_wait3A = tpu.memref_slice %arg6[%rem3A_37] : memref<3x!tpu.dma_semaphore, #tpu.memory_space<semaphore_mem>> -> memref<1x!tpu.dma_semaphore, #tpu.memory_space<semaphore_mem>>
        %dma_wait3A_67 = tpu.memref_squeeze %dma_wait3A : memref<1x!tpu.dma_semaphore, #tpu.memory_space<semaphore_mem>> -> memref<!tpu.dma_semaphore, #tpu.memory_space<semaphore_mem>>
        %dma_wait3A_68 = arith.constant 0 : i32
        %dma_wait3A_69 = tpu.memref_slice %arg3[%mul3A_66, %dma_wait3A_68] : memref<1024x100000xf32, #tpu.memory_space<any>> -> memref<16x100000xf32, #tpu.memory_space<any>>
        %dma_wait3A_70 = arith.constant 0 : i32
        %dma_wait3A_71 = arith.constant 0 : i32
        %dma_wait3A_72 = tpu.memref_slice %arg5[%rem3A_37, %dma_wait3A_70, %dma_wait3A_71] : memref<3x16x100000xf32, #tpu.memory_space<vmem>> -> memref<1x16x100000xf32, #tpu.memory_space<vmem>>
        %dma_wait3A_73 = tpu.memref_squeeze %dma_wait3A_72 : memref<1x16x100000xf32, #tpu.memory_space<vmem>> -> memref<16x100000xf32, #tpu.memory_space<vmem>>
        tpu.wait_dma2 semaphore(%dma_wait3A_67 : memref<!tpu.dma_semaphore, #tpu.memory_space<semaphore_mem>>) src(%dma_wait3A_73 : memref<16x100000xf32, #tpu.memory_space<vmem>>) dst(%dma_wait3A_69 : memref<16x100000xf32, #tpu.memory_space<any>>)
      } else {
      }
      %mul3A_41 = arith.constant 16 : i32
      %mul3A_42 = arith.muli %add3A_36, %mul3A_41 : i32
      %get3A_43 = arith.index_cast %mul3A_42 : i32 to index
      %get3A_44 = arith.constant 0 : index
      %get3A_45 = vector.load %arg4[%get3A_43, %get3A_44] : memref<1024x50xbf16, #tpu.memory_space<vmem>>, vector<16x50xbf16>
      %dot_general3A = arith.constant dense<0.000000e+00> : vector<16x100000xf32>
      %dot_general3A_46 = tpu.matmul %get3A_45, %get3A_20, %dot_general3A {dimension_numbers = #tpu.dot_dimension_numbers<[1], [0], [0], [1], [0, 0, 1, 1], [], []>, transpose_lhs_hint = false} : vector<16x50xbf16>, vector<50x100000xbf16>, vector<16x100000xf32> -> vector<16x100000xf32>
      %add3A_47 = vector.broadcast %get3A_23 : vector<1x100000xf32> to vector<16x100000xf32>
      %add3A_48 = arith.addf %dot_general3A_46, %add3A_47 : vector<16x100000xf32>
      %swap3A_49 = arith.index_cast %rem3A_37 : i32 to index
      %swap3A_50 = arith.constant 0 : index
      %swap3A_51 = arith.constant 0 : index
      %swap3A_52 = vector.load %arg5[%swap3A_49, %swap3A_50, %swap3A_51] : memref<3x16x100000xf32, #tpu.memory_space<vmem>>, vector<1x16x100000xf32>
      %swap3A_53 = vector.shape_cast %swap3A_52 : vector<1x16x100000xf32> to vector<16x100000xf32>
      %swap3A_54 = vector.shape_cast %add3A_48 : vector<16x100000xf32> to vector<1x16x100000xf32>
      tpu.vector_store %arg5[%swap3A_49, %swap3A_50, %swap3A_51], %swap3A_54 {strides = array<i32>} : memref<3x16x100000xf32, #tpu.memory_space<vmem>>, vector<1x16x100000xf32>,
      %mul3A_55 = arith.constant 16 : i32
      %mul3A_56 = arith.muli %add3A_36, %mul3A_55 : i32
      %dma_start3A = tpu.memref_slice %arg6[%rem3A_37] : memref<3x!tpu.dma_semaphore, #tpu.memory_space<semaphore_mem>> -> memref<1x!tpu.dma_semaphore, #tpu.memory_space<semaphore_mem>>
      %dma_start3A_57 = tpu.memref_squeeze %dma_start3A : memref<1x!tpu.dma_semaphore, #tpu.memory_space<semaphore_mem>> -> memref<!tpu.dma_semaphore, #tpu.memory_space<semaphore_mem>>
      %dma_start3A_58 = arith.constant 0 : i32
      %dma_start3A_59 = tpu.memref_slice %arg3[%mul3A_56, %dma_start3A_58] : memref<1024x100000xf32, #tpu.memory_space<any>> -> memref<16x100000xf32, #tpu.memory_space<any>>
      %dma_start3A_60 = arith.constant 0 : i32
      %dma_start3A_61 = arith.constant 0 : i32
      %dma_start3A_62 = tpu.memref_slice %arg5[%rem3A_37, %dma_start3A_60, %dma_start3A_61] : memref<3x16x100000xf32, #tpu.memory_space<vmem>> -> memref<1x16x100000xf32, #tpu.memory_space<vmem>>
      %dma_start3A_63 = tpu.memref_squeeze %dma_start3A_62 : memref<1x16x100000xf32, #tpu.memory_space<vmem>> -> memref<16x100000xf32, #tpu.memory_space<vmem>>
      tpu.enqueue_dma source(%dma_start3A_63 : memref<16x100000xf32, #tpu.memory_space<vmem>>) target(%dma_start3A_59 : memref<16x100000xf32, #tpu.memory_space<any>>) target_semaphore(%dma_start3A_57 : memref<!tpu.dma_semaphore, #tpu.memory_space<semaphore_mem>>)
    }
    %scan3A_27 = arith.constant 64 : i32
    %scan3A_28 = arith.constant 0 : i32
    %scan3A_29 = arith.constant 3 : i32
    %scan3A_30 = arith.addi %scan3A_28, %scan3A_29 : i32
    %scan3A_31 = arith.constant 1 : i32
    scf.for %scan3A_33 = %scan3A_28 to %scan3A_30 step %scan3A_31  : i32 {
      %mul3A_34 = arith.constant 1 : i32
      %mul3A_35 = arith.muli %scan3A_33, %mul3A_34 : i32
      %add3A = arith.constant 0 : i32
      %add3A_36 = arith.addi %add3A, %mul3A_35 : i32
      %dma_wait3A = tpu.memref_slice %arg6[%add3A_36] : memref<3x!tpu.dma_semaphore, #tpu.memory_space<semaphore_mem>> -> memref<1x!tpu.dma_semaphore, #tpu.memory_space<semaphore_mem>>
      %dma_wait3A_37 = tpu.memref_squeeze %dma_wait3A : memref<1x!tpu.dma_semaphore, #tpu.memory_space<semaphore_mem>> -> memref<!tpu.dma_semaphore, #tpu.memory_space<semaphore_mem>>
      %dma_wait3A_38 = arith.constant 0 : i32
      %dma_wait3A_39 = arith.constant 0 : i32
      %dma_wait3A_40 = tpu.memref_slice %arg3[%dma_wait3A_38, %dma_wait3A_39] : memref<1024x100000xf32, #tpu.memory_space<any>> -> memref<16x100000xf32, #tpu.memory_space<any>>
      %dma_wait3A_41 = arith.constant 0 : i32
      %dma_wait3A_42 = arith.constant 0 : i32
      %dma_wait3A_43 = tpu.memref_slice %arg5[%add3A_36, %dma_wait3A_41, %dma_wait3A_42] : memref<3x16x100000xf32, #tpu.memory_space<vmem>> -> memref<1x16x100000xf32, #tpu.memory_space<vmem>>
      %dma_wait3A_44 = tpu.memref_squeeze %dma_wait3A_43 : memref<1x16x100000xf32, #tpu.memory_space<vmem>> -> memref<16x100000xf32, #tpu.memory_space<vmem>>
      tpu.wait_dma2 semaphore(%dma_wait3A_37 : memref<!tpu.dma_semaphore, #tpu.memory_space<semaphore_mem>>) src(%dma_wait3A_44 : memref<16x100000xf32, #tpu.memory_space<vmem>>) dst(%dma_wait3A_40 : memref<16x100000xf32, #tpu.memory_space<any>>)
    }
    %scan3A_32 = arith.constant 3 : i32
    return
  }
}

</mosaic_0001>

<sc_bundles>
// kernel: kernel.5.cloned.1.call-start
scs
__scs_entry_jumppad:
0x0: {  	(pc) =	sbr.rel $0x88, $3  }
0x1: {  	(tag) =	ssettag $0x0;
	lr =	simm.s32 $0x1  }
0x2: {  	[smem:$0x3F9D] =	sst lr;
	_ =	strace $0xD0000000  }
0x3: {  	_ = 	snop  }
0x4: {  	_ = 	snop  }
0x5: {  	_ = 	snop  }
0x6: {  	_ = 	snop  }
0x7: {  	_ = 	snop  }
__scs_overlays_trampoline_lowered:
0x8: {  	[smem:$0x3FAC] =	sst s0  }
0x9: {  	[smem:$0x3FAD] =	sst s1  }
0xa: {  	[smem:$0x3FAE] =	sst s2  }
0xb: {  	[smem:$0x3FAF] =	sst s3  }
0xc: {  	[smem:$0x3FB0] =	sst s4  }
0xd: {  	[smem:$0x3FB1] =	sst s5  }
0xe: {  	[smem:$0x3FB2] =	sst s6  }
0xf: {  	[smem:$0x3FB3] =	sst s7  }
0x10: {  	[smem:$0x3FB4] =	sst s8  }
0x11: {  	[smem:$0x3FB5] =	sst s9;
	s0 =	simm.s32 @!p0 $0x0  }
0x12: {  	s1 =	sld [smem:$0x3F9B];
	s0 =	simm.s32 @p0 $0x1  }
0x13: {  	[smem:$0x3FB6] =	sst s0;
	s0 =	simm.s32 @!p1 $0x0  }
0x14: {  	s2 =	sld [smem:$0x3F9A];
	s0 =	simm.s32 @p1 $0x1  }
0x15: {  	[smem:$0x3FB7] =	sst s0;
	s0 =	simm.s32 @!p2 $0x0  }
0x16: {  	s3 =	sld [smem:$0x3FDB];
	s0 =	simm.s32 @p2 $0x1  }
0x17: {  	s4 =	simm.s32 $0x1BF5;
	[smem:$0x3FB9] =	sst s0  }
0x18: {  	s0 =	sld [smem:$0x3F9C];
	_ =	swait.ge [sflag:s4], $0x0  }
0x19: {  	s7 =	sld [smem:$0x3F9D]  }
0x1a: {  	s8 =	sadd.s32 $0xFFFFE003, lr  }
0x1b: {  	s9 =	sadd.s32 $0xFFFFFEF7, lr;
	s5 =	simm.s32 $0xFFFFFFFF;
	p2 =	slt.u32 s8, $0xFFFFF086  }
0x1c: {  	p1 =	slt.u32 s9, $0xF7A;
	s5 =	simm.s32 @!p2 $0x0  }
0x1d: {  	s5 =	simm.s32 @p1 $0x1;
	p0 =	seq.s32 s7, s2  }
0x1e: {  	s7 =	smul.u32 @!p0 $0xF7A, s2;
	p2 =	seq.s32 @!p0 s5, $0x0  }
0x1f: {  	s9 =	smul.u32 $0xF7A, s1;
	s8 =	simm.s32 @!p0 $0x1BF5;
	p2 =	por !p2, p0  }
0x20: {  	[sflag:s8] =	ssyncset.s32 @!p0 $0xFFFFF086;
	s6 =	sadd.s32 @!p0 s3, s7;
	s7 =	simm.s32 @!p0 $0x108  }
0x21: {  	s3 =	sadd.s32 s3, s9;
	s6 =	sadd.s32 @!p0 $0x88, s6;
	s7 =	simm.s32 @p2 $0x1082  }
0x22: {  	[simem:s7], [sflag:s8] =	dma.local @!p0 [hbm:s6], $0xF7A  }
0x23: {  	s9 =	sor.u32 $0xD0000000, s2;
	s6 =	simm.s32 $0x108;
	_ =	swait.ge @!p0 [sflag:s8], $0x0  }
0x24: {  	s3 =	sadd.s32 $0x88, s3;
	s6 =	simm.s32 @!p1 $0x1082;
	[sflag:s4] =	ssyncset.s32 $0xFFFFF086  }
0x25: {  	[simem:s6], [sflag:s4] =	dma.local [hbm:s3], $0xF7A  }
0x26: {  	[smem:$0x3F9D] =	sst s1;
	(tag) =	ssettag s2;
	_ =	strace s9  }
0x27: {  	s1 =	sld [smem:$0x3FAD]  }
0x28: {  	s2 =	sld [smem:$0x3FAE]  }
0x29: {  	s4 =	sld [smem:$0x3FB0]  }
0x2a: {  	p0 =	seq.s32 s5, $0x0;
	s5 =	sld [smem:$0x3FB1]  }
0x2b: {  	s6 =	sld [smem:$0x3FB2]  }
0x2c: {  	s7 =	sld [smem:$0x3FB3]  }
0x2d: {  	s3 =	simm.s32 $0x108;
	s8 =	sld [smem:$0x3FB4]  }
0x2e: {  	s3 =	simm.s32 @!p0 $0x1082;
	s9 =	sld [smem:$0x3FB5]  }
0x2f: {  	lr =	sadd.s32 s0, s3;
	s0 =	sld [smem:$0x3FAC]  }
0x30: {  	s3 =	sld [smem:$0x3FAF]  }
0x31: {  	[smem:$0x3FB8] =	sst s10  }
0x32: {  	s10 =	sld [smem:$0x3FB6];
	_ =	sdelay $0x3  }
0x33: {  	p0 =	seq.s32 s10, $0x1;
	s10 =	sld [smem:$0x3FB8];
	_ =	sdelay $0x3  }
0x34: {  	[smem:$0x3FB8] =	sst s10  }
0x35: {  	s10 =	sld [smem:$0x3FB7];
	_ =	sdelay $0x3  }
0x36: {  	p1 =	seq.s32 s10, $0x1;
	s10 =	sld [smem:$0x3FB8];
	_ =	sdelay $0x3  }
0x37: {  	[smem:$0x3FB8] =	sst s10  }
0x38: {  	s10 =	sld [smem:$0x3FB9]  }
0x39: {  	_ = 	snop;
	(pc) =	sbr.ind lr, $3  }
0x3a: {  	_ = 	snop  }
0x3b: {  	_ = 	snop  }
0x3c: {  	p2 =	seq.s32 s10, $0x1;
	s10 =	sld [smem:$0x3FB8]  }
0x3d: {  	_ =	shalt  }
0x3e: {  	_ =	shalt  }
0x3f: {  	_ =	shalt  }
0x40: {  	_ =	shalt  }
0x41: {  	_ =	shalt  }
0x42: {  	_ =	shalt  }
0x43: {  	_ =	shalt  }
0x44: {  	_ =	shalt  }
0x45: {  	_ =	shalt  }
0x46: {  	_ =	shalt  }
0x47: {  	_ =	shalt  }
0x48: {  	_ =	shalt  }
0x49: {  	_ =	shalt  }
0x4a: {  	_ =	shalt  }
0x4b: {  	_ =	shalt  }
0x4c: {  	_ =	shalt  }
0x4d: {  	_ =	shalt  }
0x4e: {  	_ =	shalt  }
0x4f: {  	_ =	shalt  }
0x50: {  	_ =	shalt  }
0x51: {  	_ =	shalt  }
0x52: {  	_ =	shalt  }
0x53: {  	_ =	shalt  }
0x54: {  	_ =	shalt  }
0x55: {  	_ =	shalt  }
0x56: {  	_ =	shalt  }
0x57: {  	_ =	shalt  }
0x58: {  	_ =	shalt  }
0x59: {  	_ =	shalt  }
0x5a: {  	_ =	shalt  }
0x5b: {  	_ =	shalt  }
0x5c: {  	_ =	shalt  }
0x5d: {  	_ =	shalt  }
0x5e: {  	_ =	shalt  }
0x5f: {  	_ =	shalt  }
0x60: {  	_ =	shalt  }
0x61: {  	_ =	shalt  }
0x62: {  	_ =	shalt  }
0x63: {  	_ =	shalt  }
0x64: {  	_ =	shalt  }
0x65: {  	_ =	shalt  }
0x66: {  	_ =	shalt  }
0x67: {  	_ =	shalt  }
0x68: {  	_ =	shalt  }
0x69: {  	_ =	shalt  }
0x6a: {  	_ =	shalt  }
0x6b: {  	_ =	shalt  }
0x6c: {  	_ =	shalt  }
0x6d: {  	_ =	shalt  }
0x6e: {  	_ =	shalt  }
0x6f: {  	_ =	shalt  }
0x70: {  	_ =	shalt  }
0x71: {  	_ =	shalt  }
0x72: {  	_ =	shalt  }
0x73: {  	_ =	shalt  }
0x74: {  	_ =	shalt  }
0x75: {  	_ =	shalt  }
0x76: {  	_ =	shalt  }
0x77: {  	_ =	shalt  }
0x78: {  	_ =	shalt  }
0x79: {  	_ =	shalt  }
0x7a: {  	_ =	shalt  }
0x7b: {  	_ =	shalt  }
0x7c: {  	_ =	shalt  }
0x7d: {  	_ =	shalt  }
0x7e: {  	_ =	shalt  }
0x7f: {  	_ =	shalt  }
0x80: {  	_ =	shalt  }
0x81: {  	_ =	shalt  }
0x82: {  	_ =	shalt  }
0x83: {  	_ =	shalt  }
0x84: {  	_ =	shalt  }
0x85: {  	_ =	shalt  }
0x86: {  	_ =	shalt  }
0x87: {  	_ =	shalt  }
.Lfunc_end0:
.L_simem_size_0:
called_computation_lowered:
.L_overlay_start_0:
0x88: {  	s2 =	sld [smem:$0x3FD9]  }
0x89: {  	s3 =	sld [smem:$0x3FFE];
	_ =	sdelay $0x1  }
0x8a: {  	s1 =	srdreg.scid  }
0x8b: {  	s0 =	sand.u32 $0x1, s1  }
0x8c: {  	s17 =	sshll.u32 s0, $0xA;
	s2 =	sadd.s32 s3, s2  }
0x8d: {  	s2 =	sadd.s32 s2, s17  }
0x8e: {  	[smem:$0x3FC4] =	sst s2  }
0x8f: {  	_ = 	snop  }
0x90: {  	s2 =	sld [smem:$0x3FD0];
	(tm) =	ssettm $0x1  }
0x91: {  	s18 =	sld [smem:$0x3FFB];
	_ =	sdelay $0x3  }
0x92: {  	_ =	strace s18  }
0x93: {  	s3 =	sld [smem:$0x3FFC];
	_ =	sdelay $0x3  }
0x94: {  	_ =	strace s3  }
0x95: {  	s3 =	sld [smem:$0x3FFD];
	_ =	sdelay $0x3  }
0x96: {  	_ =	strace s3  }
0x97: {  	_ =	strace $0x8FFFFFFF  }
0x98: {  	s19 =	sld [smem:$0x3FDB];
	_ =	sdelay $0x1  }
0x99: {  	s4 =	simm.s32 $_scs_section_size  }
0x9a: {  	s5 =	simm.s32 $_size__tile_overlayer_lowered;
	s6 =	simm.s32 $_tile_overlayer_lowered  }
0x9b: {  	s22 =	simm.s32 $0x1BFF;
	s21 =	sshll.u32 s6, $0x1;
	s3 =	sadd.s32 s4, s19  }
0x9c: {  	s7 =	simm.s32 $0x0;
	s20 =	sshll.u32 s5, $0x1;
	s5 =	sadd.s32 s21, s3  }
0x9d: {  	[timem:s7], [sflag:s22] =	dma.local [hbm:s5], s20  }
0x9e: {  	_ =	swait.ge [sflag:s22], s20  }
0x9f: {  	s4 =	ssub.s32 $0x0, s20;
	[sflag:s22] =	ssyncset.done $0x0  }
0xa0: {  	[sflag:s22] =	ssyncadd.s32 s4;
	_ =	sdelay $0x1  }
0xa1: {  	s23 =	simm.s32 $0x1B8B  }
0xa2: {  	_ =	swait.ge [sflag:s23], $0x1  }
0xa3: {  	[sflag:s23] =	ssyncset.done $0x0  }
0xa4: {  	s25 =	simm.s32 $0x1B8E;
	s24 =	sld [smem:$0x3FFE];
	[sflag:s23] =	ssyncadd.s32 $0xFFFFFFFF  }
0xa5: {  	s26 =	simm.s32 $execute0_lowered;
	[smem:$0x3FD2] =	sst s25  }
0xa6: {  	s5 =	sshll.u32 s26, $0x1;
	_ =	strace $0x80000046;
	[dreg:$0x1] =	wrdreg $0xFFFFFFFF  }
0xa7: {  	s28 =	simm.s32 $_size_execute0_lowered;
	s3 =	sadd.s32 s3, s5;
	[dreg:$0x0] =	wrdreg $0x0  }
0xa8: {  	s5 =	sshll.u32 s28, $0x1;
	[dreg:$0x2] =	wrdreg s3  }
0xa9: {  	[dreg:$0x3] =	wrdreg s5  }
0xaa: {  	[dreg:$0x4] =	wrdreg $0xC0  }
0xab: {  	_ =	task [dreg:s7], $0x5FFFF  }
0xac: {  	[dreg:$0x1] =	wrdreg $0xFFFFFFFF  }
0xad: {  	[dreg:$0x0] =	wrdreg $0x60  }
0xae: {  	[dreg:$0x2] =	wrdreg s24  }
0xaf: {  	[dreg:$0x3] =	wrdreg s2  }
0xb0: {  	[dreg:$0x4] =	wrdreg $0x9  }
0xb1: {  	_ =	task.clear_ibuf [dreg:s7], $0x5FFFF;
	_ =	strace $0x90000046  }
0xb2: {  	s29 =	simm.s32 $0x9;
	_ =	strace $0x8000004F  }
0xb3: {  	_ =	swait.ge [sflag:s29], $0x1  }
0xb4: {  	[sflag:s29] =	ssyncadd.s32 $0xFFFFFFFF  }
0xb5: {  	_ =	strace $0x9000004F  }
0xb6: {  	_ =	sfence  }
0xb7: {  	s30 =	sld [smem:$0x0];
	_ =	sdelay $0x2  }
0xb8: {  	s31 =	sshll.u32 s1, $0xD;
	s1 =	sshrl.u32 s1, $0x2  }
0xb9: {  	s3 =	sand.u32 $0x4000, s31;
	s1 =	sadd.s32 s1, s30  }
0xba: {  	s0 =	sor.u32 s3, s0;
	s1 =	sshll.u32 s1, $0x11  }
0xbb: {  	s0 =	sor.u32 s1, s0  }
0xbc: {  	s0 =	sadd.s32 $0x8F2B, s0  }
0xbd: {  	[sflag:s0] =	ssyncadd.remote.s32 $0x1  }
0xbe: {  	_ =	sfence.sel $0xFFFF  }
0xbf: {  	[dreg:$0x0] =	wrdreg $0xFFFFFFFF;
	(pc) =	sbr.abs _section_cstart, $3  }
0xc0: {  	[dreg:$0x1] =	wrdreg $0xFFFFFFFF  }
0xc1: {  	_ =	task.clear_ibuf [dreg:s7], $0x2FFFF;
	_ =	strace $0x9FFFFFFF  }
0xc2: {  	(tm) =	ssettm $0x7FFFFFFF  }
0xc3: {  	_ =	shalt  }
tec
execute0_lowered:
.L_overlay_start_1:
0x0: {  	(tag) =	ssettag $0x1  }
0x1: {  	s0 =	srdreg.scid  }
0x2: {  	s22 =	sand.u32 $0x1, s0  }
0x3: {  	s0 =	stileid.u32;
	s1 =	sshll.u32 s22, $0x4  }
0x4: {  	s7 =	rddreg [dreg:$0x0];
	s11 =	sor.u32 s0, s1  }
0x5: {  	s10 =	rddreg [dreg:$0x1];
	s2 =	simm.s32 $0x0;
	s3 =	smul.u32 $0x50, s11  }
0x6: {  	[smem:$0x7FF] =	sst s2  }
0x7: {  	s1 =	rddreg [dreg:$0x2];
	_ =	strace $0x80000047;
	s19 =	sadd.s32 s3, s7  }
0x8: {  	_ =	strace $0x80000048;
	s3 =	sadd.s32 $0x800, s19  }
0x9: {  	[tilespmem:s2], [sflag:$0x1] =	stream.linear.gather [hbm4b:s3+s2], $0x80, $0x200038;
	[tilespmem:$0x8100] =	vst v63  }
0xa: {  	_ =	strace $0x90000048  }
0xb: {  	s5 =	simm.s32 $0x80;
	s4 =	sadd.s32 $0x810, s19;
	_ =	strace $0x80000049  }
0xc: {  	[tilespmem:s5], [sflag:$0x2] =	stream.linear.gather [hbm4b:s4+s2], $0x80, $0x200038;
	[tilespmem:$0x8100] =	vst v63  }
0xd: {  	_ =	strace $0x90000049  }
0xe: {  	s6 =	simm.s32 $0x1;
	_ =	strace $0x8000004A  }
0xf: {  	_ =	swait.ge [sflag:s6], $0x80  }
0x10: {  	[sflag:s6] =	ssyncset.done $0x0  }
0x11: {  	[sflag:s6] =	ssyncadd.s32 $0xFFFFFF80  }
0x12: {  	s8 =	simm.s32 $0x100;
	_ =	strace $0x9000004A  }
0x13: {  	s9 =	simm.s32 $0x5;
	s7 =	sadd.s32 $0x1200, s7;
	_ =	strace $0x8000004B  }
0x14: {  	[tilespmem:s8], [sflag:$0x5] =	stream.indirect.gather [hbm4b:s7+s5], $0x80, s2, s5, $0x2000b8;
	[tilespmem:$0x8100] =	vst v63  }
0x15: {  	_ =	swait.ge [sflag:s9], $0x4000  }
0x16: {  	[sflag:s9] =	ssyncset.done $0x0  }
0x17: {  	s11 =	smul.u32 $0x2800, s11;
	[sflag:s9] =	ssyncadd.s32 $0xFFFFC000  }
0x18: {  	_ =	strace $0x9000004B  }
0x19: {  	s10 =	sadd.s32 s10, s11;
	_ =	strace $0x8000004C  }
0x1a: {  	[hbm4b:s10+s2] =	stream.linear.scatter [tilespmem:s8], [sflag:$0x3], $0x4000, $0x200038;
	[tilespmem:$0x8100] =	vst v63  }
0x1b: {  	_ =	strace $0x9000004C  }
0x1c: {  	s11 =	sadd.s32 $0x820, s19;
	_ =	strace $0x80000049  }
0x1d: {  	[tilespmem:s2], [sflag:$0x1] =	stream.linear.gather [hbm4b:s11+s2], $0x80, $0x200038;
	[tilespmem:$0x8100] =	vst v63  }
0x1e: {  	_ =	strace $0x90000049  }
0x1f: {  	s12 =	simm.s32 $0x2;
	_ =	strace $0x8000004A  }
0x20: {  	_ =	swait.ge [sflag:s12], $0x80  }
0x21: {  	[sflag:s12] =	ssyncset.done $0x0  }
0x22: {  	[sflag:s12] =	ssyncadd.s32 $0xFFFFFF80  }
0x23: {  	_ =	strace $0x9000004A  }
0x24: {  	s13 =	simm.s32 $0x4100;
	_ =	strace $0x8000004B  }
0x25: {  	[tilespmem:s13], [sflag:$0x5] =	stream.indirect.gather [hbm4b:s7+s5], $0x80, s5, s5, $0x2000b8;
	[tilespmem:$0x8100] =	vst v63  }
0x26: {  	_ =	swait.ge [sflag:s9], $0x4000  }
0x27: {  	[sflag:s9] =	ssyncset.done $0x0  }
0x28: {  	[sflag:s9] =	ssyncadd.s32 $0xFFFFC000  }
0x29: {  	_ =	strace $0x9000004B  }
0x2a: {  	s14 =	sadd.s32 $0x800, s10;
	_ =	strace $0x8000004C  }
0x2b: {  	[hbm4b:s14+s2] =	stream.linear.scatter [tilespmem:s13], [sflag:$0x4], $0x4000, $0x200038;
	[tilespmem:$0x8100] =	vst v63  }
0x2c: {  	_ =	strace $0x9000004C  }
0x2d: {  	s15 =	simm.s32 $0x3;
	_ =	strace $0x8000004D  }
0x2e: {  	_ =	swait.ge [sflag:s15], $0x4000  }
0x2f: {  	[sflag:s15] =	ssyncset.done $0x0  }
0x30: {  	[sflag:s15] =	ssyncadd.s32 $0xFFFFC000  }
0x31: {  	_ =	strace $0x9000004D  }
0x32: {  	s16 =	sadd.s32 $0x830, s19;
	_ =	strace $0x80000049  }
0x33: {  	[tilespmem:s5], [sflag:$0x2] =	stream.linear.gather [hbm4b:s16+s2], $0x80, $0x200038;
	[tilespmem:$0x8100] =	vst v63  }
0x34: {  	_ =	strace $0x90000049  }
0x35: {  	_ =	strace $0x8000004A  }
0x36: {  	_ =	swait.ge [sflag:s6], $0x80  }
0x37: {  	[sflag:s6] =	ssyncset.done $0x0  }
0x38: {  	[sflag:s6] =	ssyncadd.s32 $0xFFFFFF80  }
0x39: {  	_ =	strace $0x9000004A  }
0x3a: {  	_ =	strace $0x8000004B  }
0x3b: {  	[tilespmem:s8], [sflag:$0x5] =	stream.indirect.gather [hbm4b:s7+s5], $0x80, s2, s5, $0x2000b8;
	[tilespmem:$0x8100] =	vst v63  }
0x3c: {  	_ =	swait.ge [sflag:s9], $0x4000  }
0x3d: {  	[sflag:s9] =	ssyncset.done $0x0  }
0x3e: {  	[sflag:s9] =	ssyncadd.s32 $0xFFFFC000  }
0x3f: {  	_ =	strace $0x9000004B  }
0x40: {  	s17 =	sadd.s32 $0x1000, s10;
	_ =	strace $0x8000004C  }
0x41: {  	[hbm4b:s17+s2] =	stream.linear.scatter [tilespmem:s8], [sflag:$0x3], $0x4000, $0x200038;
	[tilespmem:$0x8100] =	vst v63  }
0x42: {  	_ =	strace $0x9000004C  }
0x43: {  	s18 =	simm.s32 $0x4;
	_ =	strace $0x8000004D  }
0x44: {  	_ =	swait.ge [sflag:s18], $0x4000  }
0x45: {  	[sflag:s18] =	ssyncset.done $0x0  }
0x46: {  	[sflag:s18] =	ssyncadd.s32 $0xFFFFC000  }
0x47: {  	_ =	strace $0x9000004D  }
0x48: {  	s19 =	sadd.s32 $0x840, s19;
	_ =	strace $0x80000049  }
0x49: {  	[tilespmem:s2], [sflag:$0x1] =	stream.linear.gather [hbm4b:s19+s2], $0x80, $0x200038;
	[tilespmem:$0x8100] =	vst v63  }
0x4a: {  	_ =	strace $0x90000049  }
0x4b: {  	_ =	strace $0x8000004A  }
0x4c: {  	_ =	swait.ge [sflag:s12], $0x80  }
0x4d: {  	[sflag:s12] =	ssyncset.done $0x0  }
0x4e: {  	[sflag:s12] =	ssyncadd.s32 $0xFFFFFF80  }
0x4f: {  	_ =	strace $0x9000004A  }
0x50: {  	_ =	strace $0x8000004B  }
0x51: {  	[tilespmem:s13], [sflag:$0x5] =	stream.indirect.gather [hbm4b:s7+s5], $0x80, s5, s5, $0x2000b8;
	[tilespmem:$0x8100] =	vst v63  }
0x52: {  	_ =	swait.ge [sflag:s9], $0x4000  }
0x53: {  	[sflag:s9] =	ssyncset.done $0x0  }
0x54: {  	[sflag:s9] =	ssyncadd.s32 $0xFFFFC000  }
0x55: {  	_ =	strace $0x9000004B  }
0x56: {  	s20 =	sadd.s32 $0x1800, s10;
	_ =	strace $0x8000004C  }
0x57: {  	[hbm4b:s20+s2] =	stream.linear.scatter [tilespmem:s13], [sflag:$0x4], $0x4000, $0x200038;
	[tilespmem:$0x8100] =	vst v63  }
0x58: {  	_ =	strace $0x9000004C  }
0x59: {  	_ =	strace $0x8000004D  }
0x5a: {  	_ =	swait.ge [sflag:s15], $0x4000  }
0x5b: {  	[sflag:s15] =	ssyncset.done $0x0  }
0x5c: {  	[sflag:s15] =	ssyncadd.s32 $0xFFFFC000  }
0x5d: {  	_ =	strace $0x9000004D  }
0x5e: {  	_ =	strace $0x8000004A  }
0x5f: {  	_ =	swait.ge [sflag:s6], $0x80  }
0x60: {  	[sflag:s6] =	ssyncset.done $0x0  }
0x61: {  	[sflag:s6] =	ssyncadd.s32 $0xFFFFFF80  }
0x62: {  	_ =	strace $0x9000004A  }
0x63: {  	_ =	strace $0x8000004B  }
0x64: {  	[tilespmem:s8], [sflag:$0x5] =	stream.indirect.gather [hbm4b:s7+s5], $0x80, s2, s5, $0x2000b8;
	[tilespmem:$0x8100] =	vst v63  }
0x65: {  	_ =	swait.ge [sflag:s9], $0x4000  }
0x66: {  	[sflag:s9] =	ssyncset.done $0x0  }
0x67: {  	[sflag:s9] =	ssyncadd.s32 $0xFFFFC000  }
0x68: {  	_ =	strace $0x9000004B  }
0x69: {  	s21 =	sadd.s32 $0x2000, s10;
	_ =	strace $0x8000004C  }
0x6a: {  	[hbm4b:s21+s2] =	stream.linear.scatter [tilespmem:s8], [sflag:$0x3], $0x4000, $0x200038;
	[tilespmem:$0x8100] =	vst v63  }
0x6b: {  	s22 =	ssub.s32 $0x2, s22;
	_ =	strace $0x9000004C  }
0x6c: {  	s23 =	sshrl.u32 s22, $0x1;
	_ =	strace $0x8000004D  }
0x6d: {  	s22 =	ssub.s32 s22, s23;
	_ =	swait.ge [sflag:s18], $0x4000  }
0x6e: {  	s22 =	smax.u32 s22, $0x1;
	[sflag:s18] =	ssyncset.done $0x0  }
0x6f: {  	p0 =	sne.s32 s22, $0x1;
	[sflag:s18] =	ssyncadd.s32 $0xFFFFC000  }
.Ltmp0:
0x70: {  	_ =	strace $0x9000004D;
	(pc) =	sbr.rel @!p0 .LBB2_2-.Ltmp0, $4  }
0x71: {  	_ =	strace $0x8000004E  }
0x72: {  	_ =	swait.ge [sflag:s15], $0x4000  }
0x73: {  	[sflag:s15] =	ssyncset.done $0x0  }
0x74: {  	s22 =	sadd.s32 $0xFFFFFFFF, s22;
	[sflag:s15] =	ssyncadd.s32 $0xFFFFC000  }
.LBB2_1:
0x75: {  	p0 =	sne.s32 s22, $0x1;
	s22 =	sadd.s32 $0xFFFFFFFF, s22;
	_ =	strace $0x9000004E  }
0x76: {  	_ =	strace $0x80000048  }
0x77: {  	[tilespmem:s2], [sflag:$0x1] =	stream.linear.gather [hbm4b:s3+s2], $0x80, $0x200038;
	[tilespmem:$0x8100] =	vst v63  }
0x78: {  	_ =	strace $0x90000048  }
0x79: {  	_ =	strace $0x80000049  }
0x7a: {  	[tilespmem:s5], [sflag:$0x2] =	stream.linear.gather [hbm4b:s4+s2], $0x80, $0x200038;
	[tilespmem:$0x8100] =	vst v63  }
0x7b: {  	_ =	strace $0x90000049  }
0x7c: {  	_ =	strace $0x8000004A  }
0x7d: {  	_ =	swait.ge [sflag:s6], $0x80  }
0x7e: {  	[sflag:s6] =	ssyncset.done $0x0  }
0x7f: {  	[sflag:s6] =	ssyncadd.s32 $0xFFFFFF80  }
0x80: {  	_ =	strace $0x9000004A  }
0x81: {  	_ =	strace $0x8000004B  }
0x82: {  	[tilespmem:s8], [sflag:$0x5] =	stream.indirect.gather [hbm4b:s7+s5], $0x80, s2, s5, $0x2000b8;
	[tilespmem:$0x8100] =	vst v63  }
0x83: {  	_ =	swait.ge [sflag:s9], $0x4000  }
0x84: {  	[sflag:s9] =	ssyncset.done $0x0  }
0x85: {  	[sflag:s9] =	ssyncadd.s32 $0xFFFFC000  }
0x86: {  	_ =	strace $0x9000004B  }
0x87: {  	_ =	strace $0x8000004C  }
0x88: {  	[hbm4b:s10+s2] =	stream.linear.scatter [tilespmem:s8], [sflag:$0x3], $0x4000, $0x200038;
	[tilespmem:$0x8100] =	vst v63  }
0x89: {  	_ =	strace $0x9000004C  }
0x8a: {  	_ =	strace $0x80000049  }
0x8b: {  	[tilespmem:s2], [sflag:$0x1] =	stream.linear.gather [hbm4b:s11+s2], $0x80, $0x200038;
	[tilespmem:$0x8100] =	vst v63  }
0x8c: {  	_ =	strace $0x90000049  }
0x8d: {  	_ =	strace $0x8000004A  }
0x8e: {  	_ =	swait.ge [sflag:s12], $0x80  }
0x8f: {  	[sflag:s12] =	ssyncset.done $0x0  }
0x90: {  	[sflag:s12] =	ssyncadd.s32 $0xFFFFFF80  }
0x91: {  	_ =	strace $0x9000004A  }
0x92: {  	_ =	strace $0x8000004B  }
0x93: {  	[tilespmem:s13], [sflag:$0x5] =	stream.indirect.gather [hbm4b:s7+s5], $0x80, s5, s5, $0x2000b8;
	[tilespmem:$0x8100] =	vst v63  }
0x94: {  	_ =	swait.ge [sflag:s9], $0x4000  }
0x95: {  	[sflag:s9] =	ssyncset.done $0x0  }
0x96: {  	[sflag:s9] =	ssyncadd.s32 $0xFFFFC000  }
0x97: {  	_ =	strace $0x9000004B  }
0x98: {  	_ =	strace $0x8000004C  }
0x99: {  	[hbm4b:s14+s2] =	stream.linear.scatter [tilespmem:s13], [sflag:$0x4], $0x4000, $0x200038;
	[tilespmem:$0x8100] =	vst v63  }
0x9a: {  	_ =	strace $0x9000004C  }
0x9b: {  	_ =	strace $0x8000004D  }
0x9c: {  	_ =	swait.ge [sflag:s15], $0x4000  }
0x9d: {  	[sflag:s15] =	ssyncset.done $0x0  }
0x9e: {  	[sflag:s15] =	ssyncadd.s32 $0xFFFFC000  }
0x9f: {  	_ =	strace $0x9000004D  }
0xa0: {  	_ =	strace $0x80000049  }
0xa1: {  	[tilespmem:s5], [sflag:$0x2] =	stream.linear.gather [hbm4b:s16+s2], $0x80, $0x200038;
	[tilespmem:$0x8100] =	vst v63  }
0xa2: {  	_ =	strace $0x90000049  }
0xa3: {  	_ =	strace $0x8000004A  }
0xa4: {  	_ =	swait.ge [sflag:s6], $0x80  }
0xa5: {  	[sflag:s6] =	ssyncset.done $0x0  }
0xa6: {  	[sflag:s6] =	ssyncadd.s32 $0xFFFFFF80  }
0xa7: {  	_ =	strace $0x9000004A  }
0xa8: {  	_ =	strace $0x8000004B  }
0xa9: {  	[tilespmem:s8], [sflag:$0x5] =	stream.indirect.gather [hbm4b:s7+s5], $0x80, s2, s5, $0x2000b8;
	[tilespmem:$0x8100] =	vst v63  }
0xaa: {  	_ =	swait.ge [sflag:s9], $0x4000  }
0xab: {  	[sflag:s9] =	ssyncset.done $0x0  }
0xac: {  	[sflag:s9] =	ssyncadd.s32 $0xFFFFC000  }
0xad: {  	_ =	strace $0x9000004B  }
0xae: {  	_ =	strace $0x8000004C  }
0xaf: {  	[hbm4b:s17+s2] =	stream.linear.scatter [tilespmem:s8], [sflag:$0x3], $0x4000, $0x200038;
	[tilespmem:$0x8100] =	vst v63  }
0xb0: {  	_ =	strace $0x9000004C  }
0xb1: {  	_ =	strace $0x8000004D  }
0xb2: {  	_ =	swait.ge [sflag:s18], $0x4000  }
0xb3: {  	[sflag:s18] =	ssyncset.done $0x0  }
0xb4: {  	[sflag:s18] =	ssyncadd.s32 $0xFFFFC000  }
0xb5: {  	_ =	strace $0x9000004D  }
0xb6: {  	_ =	strace $0x80000049  }
0xb7: {  	[tilespmem:s2], [sflag:$0x1] =	stream.linear.gather [hbm4b:s19+s2], $0x80, $0x200038;
	[tilespmem:$0x8100] =	vst v63  }
0xb8: {  	_ =	strace $0x90000049  }
0xb9: {  	_ =	strace $0x8000004A  }
0xba: {  	_ =	swait.ge [sflag:s12], $0x80  }
0xbb: {  	[sflag:s12] =	ssyncset.done $0x0  }
0xbc: {  	[sflag:s12] =	ssyncadd.s32 $0xFFFFFF80  }
0xbd: {  	_ =	strace $0x9000004A  }
0xbe: {  	_ =	strace $0x8000004B  }
0xbf: {  	[tilespmem:s13], [sflag:$0x5] =	stream.indirect.gather [hbm4b:s7+s5], $0x80, s5, s5, $0x2000b8;
	[tilespmem:$0x8100] =	vst v63  }
0xc0: {  	_ =	swait.ge [sflag:s9], $0x4000  }
0xc1: {  	[sflag:s9] =	ssyncset.done $0x0  }
0xc2: {  	[sflag:s9] =	ssyncadd.s32 $0xFFFFC000  }
0xc3: {  	_ =	strace $0x9000004B  }
0xc4: {  	_ =	strace $0x8000004C  }
0xc5: {  	[hbm4b:s20+s2] =	stream.linear.scatter [tilespmem:s13], [sflag:$0x4], $0x4000, $0x200038;
	[tilespmem:$0x8100] =	vst v63  }
0xc6: {  	_ =	strace $0x9000004C  }
0xc7: {  	_ =	strace $0x8000004D  }
0xc8: {  	_ =	swait.ge [sflag:s15], $0x4000  }
0xc9: {  	[sflag:s15] =	ssyncset.done $0x0  }
0xca: {  	[sflag:s15] =	ssyncadd.s32 $0xFFFFC000  }
0xcb: {  	_ =	strace $0x9000004D  }
0xcc: {  	_ =	strace $0x8000004A  }
0xcd: {  	_ =	swait.ge [sflag:s6], $0x80  }
0xce: {  	[sflag:s6] =	ssyncset.done $0x0  }
0xcf: {  	[sflag:s6] =	ssyncadd.s32 $0xFFFFFF80  }
0xd0: {  	_ =	strace $0x9000004A  }
0xd1: {  	_ =	strace $0x8000004B  }
0xd2: {  	[tilespmem:s8], [sflag:$0x5] =	stream.indirect.gather [hbm4b:s7+s5], $0x80, s2, s5, $0x2000b8;
	[tilespmem:$0x8100] =	vst v63  }
0xd3: {  	_ =	swait.ge [sflag:s9], $0x4000  }
0xd4: {  	[sflag:s9] =	ssyncset.done $0x0  }
0xd5: {  	[sflag:s9] =	ssyncadd.s32 $0xFFFFC000  }
0xd6: {  	_ =	strace $0x9000004B  }
0xd7: {  	_ =	strace $0x8000004C  }
0xd8: {  	[hbm4b:s21+s2] =	stream.linear.scatter [tilespmem:s8], [sflag:$0x3], $0x4000, $0x200038;
	[tilespmem:$0x8100] =	vst v63  }
0xd9: {  	_ =	strace $0x9000004C  }
0xda: {  	_ =	strace $0x8000004D  }
0xdb: {  	_ =	swait.ge [sflag:s18], $0x4000  }
0xdc: {  	[sflag:s18] =	ssyncset.done $0x0  }
0xdd: {  	[sflag:s18] =	ssyncadd.s32 $0xFFFFC000  }
.Ltmp1:
0xde: {  	_ =	strace $0x9000004D;
	(pc) =	sbr.rel @p0 .LBB2_1-.Ltmp1, $4  }
0xdf: {  	_ =	strace $0x8000004E  }
0xe0: {  	_ =	swait.ge [sflag:s15], $0x4000  }
0xe1: {  	[sflag:s15] =	ssyncset.done $0x0  }
0xe2: {  	[sflag:s15] =	ssyncadd.s32 $0xFFFFC000  }
.LBB2_2:
0xe3: {  	_ =	strace $0x9000004E  }
0xe4: {  	_ =	sfence.sel $0x180000  }
0xe5: {  	[bflag:$0x0] =	sbarrier.arrive $0xFFFF  }
0xe6: {  	p0 =	sne.s32 s0, $0x0;
	_ =	strace $0x90000047  }
0xe7: {  	s0 =	sadd.s32 @!p0 $0x100000, s1;
	[bflag:$0x2] =	sbarrier.arrive $0xFFFF  }
0xe8: {  	[sflag:s0] =	ssyncadd.tile.s32 @!p0 $0x1;
	_ =	shalt  }
.Lfunc_end2:
_tile_overlayer_lowered:
.L_overlay_start_2:
0xe9: {  	(tag) =	ssettag $0x2  }
0xea: {  	s0 =	rddreg [dreg:$0x0];
	s2 =	stileid.u32  }
0xeb: {  	s1 =	rddreg [dreg:$0x1];
	p0 =	sne.s32 s2, $0x0  }
0xec: {  	s3 =	rddreg [dreg:$0x2];
	[bflag:$0x3] =	sbarrier.arrive $0xFFFF;
	s2 =	simm.s32 @!p0 $0x1C01  }
0xed: {  	[timem:s3], [sflag:s2] =	dma.local @!p0 [hbm:s0], s1  }
0xee: {  	s0 =	simm.s32 @!p0 $0x1  }
0xef: {  	_ =	swait.ge @!p0 [sflag:s0], s1  }
0xf0: {  	s1 =	ssub.s32 @!p0 $0x0, s1;
	[sflag:s0] =	ssyncset.done @!p0 $0x0  }
0xf1: {  	[sflag:s0] =	ssyncadd.s32 @!p0 s1  }
0xf2: {  	[bflag:$0x3] =	sbarrier.arrive $0xFFFF  }
0xf3: {  	_ =	shalt  }

</sc_bundles>
